<compile_context>
chip_gen: v7x
topology: tpu7x:2x2x1
jax: 0.10.2.dev20260603
libtpu: 0.0.44.dev20260713+nightly
codegen_flags: <defaults>
</compile_context>

<pallas_src>
import jax
import jax.numpy as jnp
from jax import lax
from jax.experimental import pallas as pl
from jax.experimental.pallas import tpu as pltpu
from jax.experimental.pallas import tpu_sc as plsc

N = 10000
E = 320000
D = 128
H = 64
W = 128

NC = 2
NS = 16
NW = NC * NS

EW = 10240
E_PAD = NW * EW
CHUNK = 512
NCHUNK = EW // CHUNK
NSUB = CHUNK // 128
N_PAD = 10240
ROWS_PER_TILE = N_PAD // NS
C_CHUNK = 256
C_NCHUNK = EW // C_CHUNK
C_NSUB = C_CHUNK // 128

_mesh = plsc.VectorSubcoreMesh(core_axis_name="c", subcore_axis_name="s")
_sc_params = pltpu.CompilerParams(needs_layout_passes=False,
                                  use_tc_tiling_on_sc=False)


def _lrelu(x):
    return jnp.where(x >= 0, x, 0.1 * x)


def _tc0_body(hp_ref, w1a_ref, w1b_ref, ha_ref, hb_ref):
    hp = hp_ref[...]
    ha_ref[...] = jnp.dot(hp, w1a_ref[...], preferred_element_type=jnp.float32)
    hb_ref[...] = jnp.dot(hp, w1b_ref[...], preferred_element_type=jnp.float32)


def _tc0(h_pad, w1a, w1b):
    blk = 1024
    grid = N_PAD // blk
    return pl.pallas_call(
        _tc0_body,
        grid=(grid,),
        in_specs=[
            pl.BlockSpec((blk, D), lambda i: (i, 0)),
            pl.BlockSpec((D, H), lambda i: (0, 0)),
            pl.BlockSpec((D, H), lambda i: (0, 0)),
        ],
        out_specs=[
            pl.BlockSpec((blk, H), lambda i: (i, 0)),
            pl.BlockSpec((blk, H), lambda i: (i, 0)),
        ],
        out_shape=[
            jax.ShapeDtypeStruct((N_PAD, H), jnp.float32),
            jax.ShapeDtypeStruct((N_PAD, H), jnp.float32),
        ],
    )(h_pad, w1a, w1b)


def _sca_body(ha_hbm, hb_hbm, c4_hbm, row2_hbm, col2_hbm,
              x0_hbm, rel_hbm,
              row_v, col_v, x0_v, rel_v, ctab_v, sem):
    wid = lax.axis_index("s") * NC + lax.axis_index("c")
    ebase = wid * EW
    pltpu.sync_copy(c4_hbm, ctab_v)

    iota16 = lax.iota(jnp.int32, 16)

    def chunk_body(k, carry):
        base = pl.multiple_of(ebase + k * CHUNK, CHUNK)
        rblk = pl.multiple_of(ebase // 128 + k * NSUB, NSUB)
        pltpu.sync_copy(row2_hbm.at[pl.ds(rblk, NSUB)], row_v)
        pltpu.sync_copy(col2_hbm.at[pl.ds(rblk, NSUB)], col_v)

        descs = []
        for j in range(NSUB):
            descs.append(pltpu.async_copy(
                ha_hbm.at[row_v.at[j]], x0_v.at[pl.ds(j * 128, 128)], sem))
        for d in descs:
            d.wait()
        descs = []
        for j in range(NSUB):
            descs.append(pltpu.async_copy(
                hb_hbm.at[col_v.at[j]], x0_v.at[pl.ds(j * 128, 128)], sem,
                add=True))

        for j in range(NSUB):
            def grp_body(gg, c2):
                r16 = row_v[j, pl.ds(gg * 16, 16)]
                c16 = col_v[j, pl.ds(gg * 16, 16)]
                r4 = r16 * 4
                c4 = c16 * 4
                xr = plsc.load_gather(ctab_v, [r4])
                yr = plsc.load_gather(ctab_v, [r4 + 1])
                zr = plsc.load_gather(ctab_v, [r4 + 2])
                xc = plsc.load_gather(ctab_v, [c4])
                yc = plsc.load_gather(ctab_v, [c4 + 1])
                zc = plsc.load_gather(ctab_v, [c4 + 2])
                dx = xr - xc
                dy = yr - yc
                dz = zr - zc
                d2 = dx * dx + dy * dy + dz * dz
                lane8 = (iota16 + (j * 128 + gg * 16)) * 8
                plsc.store_scatter(rel_v, [lane8], dx)
                plsc.store_scatter(rel_v, [lane8 + 1], dy)
                plsc.store_scatter(rel_v, [lane8 + 2], dz)
                plsc.store_scatter(rel_v, [lane8 + 3], d2)
                return c2
            lax.fori_loop(0, CHUNK // 128, grp_body, 0)

        for d in descs:
            d.wait()
        pltpu.sync_copy(x0_v, x0_hbm.at[pl.ds(base, CHUNK)])
        pltpu.sync_copy(rel_v, rel_hbm.at[pl.ds(base * 8, CHUNK * 8)])
        return carry

    lax.fori_loop(0, NCHUNK, chunk_body, 0)


def _sca(ha, hb, coords4f, row2, col2):
    return pl.kernel(
        _sca_body,
        out_type=[
            jax.ShapeDtypeStruct((E_PAD, H), jnp.float32),
            jax.ShapeDtypeStruct((E_PAD * 8,), jnp.float32),
        ],
        mesh=_mesh,
        compiler_params=_sc_params,
        scratch_types=[
            pltpu.VMEM((NSUB, 128), jnp.int32),
            pltpu.VMEM((NSUB, 128), jnp.int32),
            pltpu.VMEM((CHUNK, H), jnp.float32),
            pltpu.VMEM((CHUNK * 8,), jnp.float32),
            pltpu.VMEM((N_PAD * 4,), jnp.float32),
            pltpu.SemaphoreType.DMA,
        ],
    )(ha, hb, coords4f, row2, col2)


def _tcb_body(x0_ref, rel_ref, w1c_ref, b1_ref, w2_ref, b2_ref,
              g1_ref, be1_ref, w5_ref, b5_ref, w6_ref,
              eacm_ref):
    x0 = x0_ref[...]
    rel = rel_ref[...]
    d2 = rel[:, 3:4]
    rd = jnp.sqrt(d2) + 1e-8
    x1 = _lrelu(x0 + rd * w1c_ref[...] + b1_ref[...])
    x2 = _lrelu(jnp.dot(x1, w2_ref[...], preferred_element_type=jnp.float32)
                + b2_ref[...])
    m = jnp.mean(x2, axis=1, keepdims=True)
    v = jnp.mean((x2 - m) ** 2, axis=1, keepdims=True)
    ea = (x2 - m) / jnp.sqrt(v + 1e-5) * g1_ref[...] + be1_ref[...]
    t = _lrelu(jnp.dot(ea, w5_ref[...], preferred_element_type=jnp.float32)
               + b5_ref[...])
    c = jnp.sum(t * w6_ref[...], axis=1, keepdims=True)
    cm3 = c * rel[:, 0:3] / rd
    eacm_ref[...] = jnp.concatenate(
        [ea, cm3, jnp.zeros((cm3.shape[0], W - H - 3), jnp.float32)], axis=1)


def _tcb(x0, rel, w1c, b1, w2, b2, g1, be1, w5, b5, w6t):
    blk = 2048
    grid = E_PAD // blk
    vec = pl.BlockSpec((1, H), lambda i: (0, 0))
    return pl.pallas_call(
        _tcb_body,
        grid=(grid,),
        in_specs=[
            pl.BlockSpec((blk, H), lambda i: (i, 0)),
            pl.BlockSpec((blk, 8), lambda i: (i, 0)),
            vec, vec,
            pl.BlockSpec((H, H), lambda i: (0, 0)), vec,
            vec, vec,
            pl.BlockSpec((H, H), lambda i: (0, 0)), vec,
            vec,
        ],
        out_specs=[pl.BlockSpec((blk, W), lambda i: (i, 0))],
        out_shape=[jax.ShapeDtypeStruct((E_PAD, W), jnp.float32)],
    )(x0, rel, w1c, b1, w2, b2, g1, be1, w5, b5, w6t)


def _scc_body(row2_hbm, eacm_hbm, agg_hbm,
              row_v, ea_v, zb, agg_sh, sem):
    cid = lax.axis_index("c")
    sid = lax.axis_index("s")
    epc = E_PAD // NC
    base = cid * epc + sid * EW

    zeros16 = jnp.zeros((16,), jnp.float32)

    def zero_body(i, c2):
        for jj in range(W // 16):
            zb[i, pl.ds(jj * 16, 16)] = zeros16
        return c2
    lax.fori_loop(0, 32, zero_body, 0)

    for t in range(ROWS_PER_TILE // 32):
        pltpu.sync_copy(zb, agg_sh.at[pl.ds(sid * ROWS_PER_TILE + t * 32, 32)])
    plsc.subcore_barrier()

    def chunk_body(k, carry):
        b = pl.multiple_of(base + k * C_CHUNK, C_CHUNK)
        pltpu.sync_copy(
            row2_hbm.at[pl.ds(pl.multiple_of(b // 128, C_NSUB), C_NSUB)],
            row_v)
        pltpu.sync_copy(eacm_hbm.at[pl.ds(b, C_CHUNK)], ea_v)
        for j in range(C_NSUB):
            pltpu.sync_copy(ea_v.at[pl.ds(j * 128, 128)],
                            agg_sh.at[row_v.at[j]], add=True)
        return carry

    lax.fori_loop(0, C_NCHUNK, chunk_body, 0)
    plsc.subcore_barrier()

    pltpu.sync_copy(agg_sh.at[pl.ds(sid * ROWS_PER_TILE, ROWS_PER_TILE)],
                    agg_hbm.at[cid, pl.ds(sid * ROWS_PER_TILE, ROWS_PER_TILE)])


def _scc(row2, eacm):
    return pl.kernel(
        _scc_body,
        out_type=[jax.ShapeDtypeStruct((NC, N_PAD, W), jnp.float32)],
        mesh=_mesh,
        compiler_params=_sc_params,
        scratch_types=[
            pltpu.VMEM((C_NSUB, 128), jnp.int32),
            pltpu.VMEM((C_CHUNK, W), jnp.float32),
            pltpu.VMEM((32, W), jnp.float32),
            pltpu.VMEM_SHARED((N_PAD, W), jnp.float32),
            pltpu.SemaphoreType.DMA,
        ],
    )(row2, eacm)


def _tcd_body(h_ref, agg0_ref, agg1_ref, coords_ref,
              w3h_ref, w3a_ref, b3_ref, w4_ref, b4_ref, g2_ref, be2_ref,
              cs_ref, fs_ref, hout_ref, cout_ref):
    hh = h_ref[...]
    ag = agg0_ref[0] + agg1_ref[0]
    na = ag[:, 0:H]
    y1 = _lrelu(jnp.dot(hh, w3h_ref[...], preferred_element_type=jnp.float32)
                + jnp.dot(na, w3a_ref[...], preferred_element_type=jnp.float32)
                + b3_ref[...])
    y = jnp.dot(y1, w4_ref[...], preferred_element_type=jnp.float32) + b4_ref[...]
    m = jnp.mean(y, axis=1, keepdims=True)
    v = jnp.mean((y - m) ** 2, axis=1, keepdims=True)
    hu = (y - m) / jnp.sqrt(v + 1e-5) * g2_ref[...] + be2_ref[...]
    hout_ref[...] = hh + fs_ref[0, 0] * hu
    cout_ref[...] = coords_ref[...] + cs_ref[0, 0] * ag[:, H:H + 3]


def _tcd(h, agg0, agg1, coords, w3h, w3a, b3, w4, b4, g2, be2, cs, fs):
    blk = 1000
    grid = N // blk
    vecH = pl.BlockSpec((1, H), lambda i: (0, 0))
    vecD = pl.BlockSpec((1, D), lambda i: (0, 0))
    sca = pl.BlockSpec((1, 1), lambda i: (0, 0))
    return pl.pallas_call(
        _tcd_body,
        grid=(grid,),
        in_specs=[
            pl.BlockSpec((blk, D), lambda i: (i, 0)),
            pl.BlockSpec((1, blk, W), lambda i: (0, i, 0)),
            pl.BlockSpec((1, blk, W), lambda i: (1, i, 0)),
            pl.BlockSpec((blk, 3), lambda i: (i, 0)),
            pl.BlockSpec((D, H), lambda i: (0, 0)),
            pl.BlockSpec((H, H), lambda i: (0, 0)),
            vecH,
            pl.BlockSpec((H, D), lambda i: (0, 0)),
            vecD, vecD, vecD,
            sca, sca,
        ],
        out_specs=[
            pl.BlockSpec((blk, D), lambda i: (i, 0)),
            pl.BlockSpec((blk, 3), lambda i: (i, 0)),
        ],
        out_shape=[
            jax.ShapeDtypeStruct((N, D), jnp.float32),
            jax.ShapeDtypeStruct((N, 3), jnp.float32),
        ],
    )(h, agg0, agg1, coords, w3h, w3a, b3, w4, b4, g2, be2, cs, fs)


def kernel(h, coords, edge_index, W1, b1, W2, b2, ln1_g, ln1_b, W3, b3, W4,
           b4, ln2_g, ln2_b, W5, b5, W6, coord_scale, feature_scale):
    f32 = jnp.float32
    row = edge_index[0].astype(jnp.int32)
    col = edge_index[1].astype(jnp.int32)
    pad = jnp.full((E_PAD - E,), N, jnp.int32)
    row2 = jnp.concatenate([row, pad]).reshape(E_PAD // 128, 128)
    col2 = jnp.concatenate([col, pad]).reshape(E_PAD // 128, 128)

    h_pad = jnp.zeros((N_PAD, D), f32).at[:N].set(h)
    coords4f = jnp.zeros((N_PAD, 4), f32).at[:N, :3].set(coords).reshape(-1)

    w1a = W1[:D]
    w1b = W1[D:2 * D]
    w1c = W1[2 * D:2 * D + 1]

    ha, hb = _tc0(h_pad, w1a, w1b)
    x0, relf = _sca(ha, hb, coords4f, row2, col2)
    rel = relf.reshape(E_PAD, 8)
    eacm = _tcb(x0, rel, w1c, b1.reshape(1, H), W2, b2.reshape(1, H),
                ln1_g.reshape(1, H), ln1_b.reshape(1, H), W5,
                b5.reshape(1, H), W6.reshape(1, H))[0]
    agg = _scc(row2, eacm)[0]
    h_out, coords_out = _tcd(
        h, agg, agg, coords,
        W3[:D], W3[D:], b3.reshape(1, H), W4, b4.reshape(1, D),
        ln2_g.reshape(1, D), ln2_b.reshape(1, D),
        coord_scale.reshape(1, 1), feature_scale.reshape(1, 1))
    return (h_out, coords_out)

# --- scband reference (transcript-rebuilt; emitter-appended) ---
"""Pipeline reference for scband-improved-egnnlayer-6975026888916 (READ-ONLY COPY).

The authoritative reference and input builder live on the scoring server;
editing this copy changes nothing except your own understanding.
"""

import jax, jax.numpy as jnp
import numpy as np

N = 10000
E = 320000
D = 128
H = 64

def _layernorm(x, g, b, eps=1e-5):
    m = jnp.mean(x, axis=-1, keepdims=True)
    v = jnp.var(x, axis=-1, keepdims=True)
    return (x - m) / jnp.sqrt(v + eps) * g + b

def _lrelu(x):
    return jax.nn.leaky_relu(x, negative_slope=0.1)

def setup_inputs(seed: int = 0):
    key = jax.random.key(seed)
    ks = jax.random.split(key, 16)
    def w(k, shape, fan_in):
        return (jax.random.normal(k, shape, dtype=jnp.float32) / np.sqrt(fan_in)).astype(jnp.float32)
    inp = {}
    inp["h"] = jax.random.normal(ks[0], (N, D), dtype=jnp.float32)
    inp["coords"] = jax.random.normal(ks[1], (N, 3), dtype=jnp.float32)
    inp["edge_index"] = jax.random.randint(ks[2], (2, E), 0, N)
    inp["W1"] = w(ks[3], (2 * D + 1, H), 2 * D + 1)
    inp["b1"] = jnp.zeros((H,), jnp.float32)
    inp["W2"] = w(ks[4], (H, H), H)
    inp["b2"] = jnp.zeros((H,), jnp.float32)
    inp["ln1_g"] = jnp.ones((H,), jnp.float32)
    inp["ln1_b"] = jnp.zeros((H,), jnp.float32)
    inp["W3"] = w(ks[5], (D + H, H), D + H)
    inp["b3"] = jnp.zeros((H,), jnp.float32)
    inp["W4"] = w(ks[6], (H, D), H)
    inp["b4"] = jnp.zeros((D,), jnp.float32)
    inp["ln2_g"] = jnp.ones((D,), jnp.float32)
    inp["ln2_b"] = jnp.zeros((D,), jnp.float32)
    inp["W5"] = w(ks[7], (H, H), H)
    inp["b5"] = jnp.zeros((H,), jnp.float32)
    inp["W6"] = w(ks[8], (H, 1), H)
    inp["coord_scale"] = jnp.float32(0.1)
    inp["feature_scale"] = jnp.float32(0.1)
    return inp

def reference(h, coords, edge_index, W1, b1, W2, b2, ln1_g, ln1_b, W3, b3, W4, b4, ln2_g, ln2_b, W5, b5, W6, coord_scale, feature_scale):
    row = edge_index[0]
    col = edge_index[1]
    rel_coords = coords[row] - coords[col]
    rel_dist = jnp.linalg.norm(rel_coords, axis=1, keepdims=True) + 1e-8
    edge_input = jnp.concatenate([h[row], h[col], rel_dist], axis=1)
    x = _lrelu(edge_input @ W1 + b1)
    x = _lrelu(x @ W2 + b2)
    edge_attr = _layernorm(x, ln1_g, ln1_b)
    c = _lrelu(edge_attr @ W5 + b5) @ W6
    coord_mul = c * (rel_coords / rel_dist)
    coord_agg = jnp.zeros_like(coords).at[row].add(coord_mul)
    coords_out = coords + coord_scale * coord_agg
    agg_attr = jnp.zeros((h.shape[0], edge_attr.shape[1]), h.dtype).at[row].add(edge_attr)
    node_input = jnp.concatenate([h, agg_attr], axis=1)
    y = _lrelu(node_input @ W3 + b3)
    y = y @ W4 + b4
    h_update = _layernorm(y, ln2_g, ln2_b)
    h_out = h + feature_scale * h_update
    return (h_out, coords_out)

if __name__ == "__main__":
    import jax
    _d = setup_inputs()
    print(jax.jit(kernel)(*tuple(_d.values())))

</pallas_src>

<mosaic_0001>
#map = affine_map<(d0, d1) -> (0, 0)>
#map1 = affine_map<(d0, d1) -> (0, 0, 0)>
module attributes {stable_mosaic.version = 14 : i64} {
  func.func @_scc_body(%arg0: i32, %arg1: i32, %arg2: memref<2560x128xi32, #tpu.memory_space<hbm>>, %arg3: memref<327680x128xf32, #tpu.memory_space<hbm>>, %arg4: memref<2x10240x128xf32, #tpu.memory_space<hbm>>, %arg5: memref<2x128xi32, #tpu.memory_space<vmem>>, %arg6: memref<256x128xf32, #tpu.memory_space<vmem>>, %arg7: memref<32x128xf32, #tpu.memory_space<vmem>>, %arg8: memref<10240x128xf32, #tpu.memory_space<vmem_shared>>, %arg9: memref<!tpu.dma_semaphore, #tpu.memory_space<semaphore_mem>>) attributes {dimension_semantics = [#tpu.dimension_semantics<core_parallel>, #tpu.dimension_semantics<subcore_parallel>], iteration_bounds = array<i64: 2, 16>, scalar_prefetch = 0 : i64, scratch_operands = 5 : i64, tpu.core_type = #tpu.core_type<sc_vector_subcore>, window_params = [{transform_indices = #map}, {transform_indices = #map}, {transform_indices = #map1}]} {
    %mul3A = arith.constant 163840 : i32
    %mul3A_0 = arith.muli %arg0, %mul3A : i32
    %mul3A_1 = arith.constant 10240 : i32
    %mul3A_2 = arith.muli %arg1, %mul3A_1 : i32
    %add3A = arith.addi %mul3A_0, %mul3A_2 : i32
    %broadcast_in_dim3A = arith.constant 0.000000e+00 : f32
    %broadcast_in_dim3A_3 = vector.broadcast %broadcast_in_dim3A : f32 to vector<16xf32>
    %scan3A = arith.constant 0 : i32
    %scan3A_4 = arith.constant 0 : i32
    %scan3A_5 = arith.constant 32 : i32
    %scan3A_6 = arith.addi %scan3A_4, %scan3A_5 : i32
    %scan3A_7 = arith.constant 1 : i32
    scf.for %scan3A_100 = %scan3A_4 to %scan3A_6 step %scan3A_7  : i32 {
      %swap3A = arith.index_cast %scan3A_100 : i32 to index
      %swap3A_101 = arith.constant 0 : index
      %swap3A_102 = tpu.vector_load %arg7[%swap3A, %swap3A_101] {strides = array<i32>} : memref<32x128xf32, #tpu.memory_space<vmem>>, vector<16xf32>,
      tpu.vector_store %arg7[%swap3A, %swap3A_101], %broadcast_in_dim3A_3 {strides = array<i32>} : memref<32x128xf32, #tpu.memory_space<vmem>>, vector<16xf32>,
      %swap3A_103 = arith.index_cast %scan3A_100 : i32 to index
      %swap3A_104 = arith.constant 16 : index
      %swap3A_105 = tpu.vector_load %arg7[%swap3A_103, %swap3A_104] {strides = array<i32>} : memref<32x128xf32, #tpu.memory_space<vmem>>, vector<16xf32>,
      tpu.vector_store %arg7[%swap3A_103, %swap3A_104], %broadcast_in_dim3A_3 {strides = array<i32>} : memref<32x128xf32, #tpu.memory_space<vmem>>, vector<16xf32>,
      %swap3A_106 = arith.index_cast %scan3A_100 : i32 to index
      %swap3A_107 = arith.constant 32 : index
      %swap3A_108 = tpu.vector_load %arg7[%swap3A_106, %swap3A_107] {strides = array<i32>} : memref<32x128xf32, #tpu.memory_space<vmem>>, vector<16xf32>,
      tpu.vector_store %arg7[%swap3A_106, %swap3A_107], %broadcast_in_dim3A_3 {strides = array<i32>} : memref<32x128xf32, #tpu.memory_space<vmem>>, vector<16xf32>,
      %swap3A_109 = arith.index_cast %scan3A_100 : i32 to index
      %swap3A_110 = arith.constant 48 : index
      %swap3A_111 = tpu.vector_load %arg7[%swap3A_109, %swap3A_110] {strides = array<i32>} : memref<32x128xf32, #tpu.memory_space<vmem>>, vector<16xf32>,
      tpu.vector_store %arg7[%swap3A_109, %swap3A_110], %broadcast_in_dim3A_3 {strides = array<i32>} : memref<32x128xf32, #tpu.memory_space<vmem>>, vector<16xf32>,
      %swap3A_112 = arith.index_cast %scan3A_100 : i32 to index
      %swap3A_113 = arith.constant 64 : index
      %swap3A_114 = tpu.vector_load %arg7[%swap3A_112, %swap3A_113] {strides = array<i32>} : memref<32x128xf32, #tpu.memory_space<vmem>>, vector<16xf32>,
      tpu.vector_store %arg7[%swap3A_112, %swap3A_113], %broadcast_in_dim3A_3 {strides = array<i32>} : memref<32x128xf32, #tpu.memory_space<vmem>>, vector<16xf32>,
      %swap3A_115 = arith.index_cast %scan3A_100 : i32 to index
      %swap3A_116 = arith.constant 80 : index
      %swap3A_117 = tpu.vector_load %arg7[%swap3A_115, %swap3A_116] {strides = array<i32>} : memref<32x128xf32, #tpu.memory_space<vmem>>, vector<16xf32>,
      tpu.vector_store %arg7[%swap3A_115, %swap3A_116], %broadcast_in_dim3A_3 {strides = array<i32>} : memref<32x128xf32, #tpu.memory_space<vmem>>, vector<16xf32>,
      %swap3A_118 = arith.index_cast %scan3A_100 : i32 to index
      %swap3A_119 = arith.constant 96 : index
      %swap3A_120 = tpu.vector_load %arg7[%swap3A_118, %swap3A_119] {strides = array<i32>} : memref<32x128xf32, #tpu.memory_space<vmem>>, vector<16xf32>,
      tpu.vector_store %arg7[%swap3A_118, %swap3A_119], %broadcast_in_dim3A_3 {strides = array<i32>} : memref<32x128xf32, #tpu.memory_space<vmem>>, vector<16xf32>,
      %swap3A_121 = arith.index_cast %scan3A_100 : i32 to index
      %swap3A_122 = arith.constant 112 : index
      %swap3A_123 = tpu.vector_load %arg7[%swap3A_121, %swap3A_122] {strides = array<i32>} : memref<32x128xf32, #tpu.memory_space<vmem>>, vector<16xf32>,
      tpu.vector_store %arg7[%swap3A_121, %swap3A_122], %broadcast_in_dim3A_3 {strides = array<i32>} : memref<32x128xf32, #tpu.memory_space<vmem>>, vector<16xf32>,
    }
    %scan3A_8 = arith.constant 32 : i32
    %mul3A_9 = arith.constant 640 : i32
    %mul3A_10 = arith.muli %arg1, %mul3A_9 : i32
    %add3A_11 = arith.constant 0 : i32
    %add3A_12 = arith.addi %mul3A_10, %add3A_11 : i32
    "tpu.region"() ({
      %run_scoped3A = tpu.sem_alloc : memref<!tpu.dma_semaphore, #tpu.memory_space<semaphore_mem>>
      %dma_start3A = arith.constant 0 : i32
      %dma_start3A_100 = tpu.memref_slice %arg8[%add3A_12, %dma_start3A] : memref<10240x128xf32, #tpu.memory_space<vmem_shared>> -> memref<32x128xf32, #tpu.memory_space<vmem_shared>>
      %dma_start3A_101 = arith.constant 0 : i32
      %dma_start3A_102 = tpu.memref_slice %arg8[%add3A_12, %dma_start3A_101] : memref<10240x128xf32, #tpu.memory_space<vmem_shared>> -> memref<32x128xf32, #tpu.memory_space<vmem_shared>>
      tpu.enqueue_dma source(%arg7 : memref<32x128xf32, #tpu.memory_space<vmem>>) target(%dma_start3A_102 : memref<32x128xf32, #tpu.memory_space<vmem_shared>>) target_semaphore(%run_scoped3A : memref<!tpu.dma_semaphore, #tpu.memory_space<semaphore_mem>>)
      %dma_wait3A = arith.constant 0 : i32
      %dma_wait3A_103 = tpu.memref_slice %arg8[%add3A_12, %dma_wait3A] : memref<10240x128xf32, #tpu.memory_space<vmem_shared>> -> memref<32x128xf32, #tpu.memory_space<vmem_shared>>
      %dma_wait3A_104 = arith.constant 0 : i32
      %dma_wait3A_105 = tpu.memref_slice %arg8[%add3A_12, %dma_wait3A_104] : memref<10240x128xf32, #tpu.memory_space<vmem_shared>> -> memref<32x128xf32, #tpu.memory_space<vmem_shared>>
      tpu.wait_dma2 semaphore(%run_scoped3A : memref<!tpu.dma_semaphore, #tpu.memory_space<semaphore_mem>>) src(%arg7 : memref<32x128xf32, #tpu.memory_space<vmem>>) dst(%dma_wait3A_105 : memref<32x128xf32, #tpu.memory_space<vmem_shared>>)
      tpu.yield
    }) : () -> ()
    %mul3A_13 = arith.constant 640 : i32
    %mul3A_14 = arith.muli %arg1, %mul3A_13 : i32
    %add3A_15 = arith.constant 32 : i32
    %add3A_16 = arith.addi %mul3A_14, %add3A_15 : i32
    "tpu.region"() ({
      %run_scoped3A = tpu.sem_alloc : memref<!tpu.dma_semaphore, #tpu.memory_space<semaphore_mem>>
      %dma_start3A = arith.constant 0 : i32
      %dma_start3A_100 = tpu.memref_slice %arg8[%add3A_16, %dma_start3A] : memref<10240x128xf32, #tpu.memory_space<vmem_shared>> -> memref<32x128xf32, #tpu.memory_space<vmem_shared>>
      %dma_start3A_101 = arith.constant 0 : i32
      %dma_start3A_102 = tpu.memref_slice %arg8[%add3A_16, %dma_start3A_101] : memref<10240x128xf32, #tpu.memory_space<vmem_shared>> -> memref<32x128xf32, #tpu.memory_space<vmem_shared>>
      tpu.enqueue_dma source(%arg7 : memref<32x128xf32, #tpu.memory_space<vmem>>) target(%dma_start3A_102 : memref<32x128xf32, #tpu.memory_space<vmem_shared>>) target_semaphore(%run_scoped3A : memref<!tpu.dma_semaphore, #tpu.memory_space<semaphore_mem>>)
      %dma_wait3A = arith.constant 0 : i32
      %dma_wait3A_103 = tpu.memref_slice %arg8[%add3A_16, %dma_wait3A] : memref<10240x128xf32, #tpu.memory_space<vmem_shared>> -> memref<32x128xf32, #tpu.memory_space<vmem_shared>>
      %dma_wait3A_104 = arith.constant 0 : i32
      %dma_wait3A_105 = tpu.memref_slice %arg8[%add3A_16, %dma_wait3A_104] : memref<10240x128xf32, #tpu.memory_space<vmem_shared>> -> memref<32x128xf32, #tpu.memory_space<vmem_shared>>
      tpu.wait_dma2 semaphore(%run_scoped3A : memref<!tpu.dma_semaphore, #tpu.memory_space<semaphore_mem>>) src(%arg7 : memref<32x128xf32, #tpu.memory_space<vmem>>) dst(%dma_wait3A_105 : memref<32x128xf32, #tpu.memory_space<vmem_shared>>)
      tpu.yield
    }) : () -> ()
    %mul3A_17 = arith.constant 640 : i32
    %mul3A_18 = arith.muli %arg1, %mul3A_17 : i32
    %add3A_19 = arith.constant 64 : i32
    %add3A_20 = arith.addi %mul3A_18, %add3A_19 : i32
    "tpu.region"() ({
      %run_scoped3A = tpu.sem_alloc : memref<!tpu.dma_semaphore, #tpu.memory_space<semaphore_mem>>
      %dma_start3A = arith.constant 0 : i32
      %dma_start3A_100 = tpu.memref_slice %arg8[%add3A_20, %dma_start3A] : memref<10240x128xf32, #tpu.memory_space<vmem_shared>> -> memref<32x128xf32, #tpu.memory_space<vmem_shared>>
      %dma_start3A_101 = arith.constant 0 : i32
      %dma_start3A_102 = tpu.memref_slice %arg8[%add3A_20, %dma_start3A_101] : memref<10240x128xf32, #tpu.memory_space<vmem_shared>> -> memref<32x128xf32, #tpu.memory_space<vmem_shared>>
      tpu.enqueue_dma source(%arg7 : memref<32x128xf32, #tpu.memory_space<vmem>>) target(%dma_start3A_102 : memref<32x128xf32, #tpu.memory_space<vmem_shared>>) target_semaphore(%run_scoped3A : memref<!tpu.dma_semaphore, #tpu.memory_space<semaphore_mem>>)
      %dma_wait3A = arith.constant 0 : i32
      %dma_wait3A_103 = tpu.memref_slice %arg8[%add3A_20, %dma_wait3A] : memref<10240x128xf32, #tpu.memory_space<vmem_shared>> -> memref<32x128xf32, #tpu.memory_space<vmem_shared>>
      %dma_wait3A_104 = arith.constant 0 : i32
      %dma_wait3A_105 = tpu.memref_slice %arg8[%add3A_20, %dma_wait3A_104] : memref<10240x128xf32, #tpu.memory_space<vmem_shared>> -> memref<32x128xf32, #tpu.memory_space<vmem_shared>>
      tpu.wait_dma2 semaphore(%run_scoped3A : memref<!tpu.dma_semaphore, #tpu.memory_space<semaphore_mem>>) src(%arg7 : memref<32x128xf32, #tpu.memory_space<vmem>>) dst(%dma_wait3A_105 : memref<32x128xf32, #tpu.memory_space<vmem_shared>>)
      tpu.yield
    }) : () -> ()
    %mul3A_21 = arith.constant 640 : i32
    %mul3A_22 = arith.muli %arg1, %mul3A_21 : i32
    %add3A_23 = arith.constant 96 : i32
    %add3A_24 = arith.addi %mul3A_22, %add3A_23 : i32
    "tpu.region"() ({
      %run_scoped3A = tpu.sem_alloc : memref<!tpu.dma_semaphore, #tpu.memory_space<semaphore_mem>>
      %dma_start3A = arith.constant 0 : i32
      %dma_start3A_100 = tpu.memref_slice %arg8[%add3A_24, %dma_start3A] : memref<10240x128xf32, #tpu.memory_space<vmem_shared>> -> memref<32x128xf32, #tpu.memory_space<vmem_shared>>
      %dma_start3A_101 = arith.constant 0 : i32
      %dma_start3A_102 = tpu.memref_slice %arg8[%add3A_24, %dma_start3A_101] : memref<10240x128xf32, #tpu.memory_space<vmem_shared>> -> memref<32x128xf32, #tpu.memory_space<vmem_shared>>
      tpu.enqueue_dma source(%arg7 : memref<32x128xf32, #tpu.memory_space<vmem>>) target(%dma_start3A_102 : memref<32x128xf32, #tpu.memory_space<vmem_shared>>) target_semaphore(%run_scoped3A : memref<!tpu.dma_semaphore, #tpu.memory_space<semaphore_mem>>)
      %dma_wait3A = arith.constant 0 : i32
      %dma_wait3A_103 = tpu.memref_slice %arg8[%add3A_24, %dma_wait3A] : memref<10240x128xf32, #tpu.memory_space<vmem_shared>> -> memref<32x128xf32, #tpu.memory_space<vmem_shared>>
      %dma_wait3A_104 = arith.constant 0 : i32
      %dma_wait3A_105 = tpu.memref_slice %arg8[%add3A_24, %dma_wait3A_104] : memref<10240x128xf32, #tpu.memory_space<vmem_shared>> -> memref<32x128xf32, #tpu.memory_space<vmem_shared>>
      tpu.wait_dma2 semaphore(%run_scoped3A : memref<!tpu.dma_semaphore, #tpu.memory_space<semaphore_mem>>) src(%arg7 : memref<32x128xf32, #tpu.memory_space<vmem>>) dst(%dma_wait3A_105 : memref<32x128xf32, #tpu.memory_space<vmem_shared>>)
      tpu.yield
    }) : () -> ()
    %mul3A_25 = arith.constant 640 : i32
    %mul3A_26 = arith.muli %arg1, %mul3A_25 : i32
    %add3A_27 = arith.constant 128 : i32
    %add3A_28 = arith.addi %mul3A_26, %add3A_27 : i32
    "tpu.region"() ({
      %run_scoped3A = tpu.sem_alloc : memref<!tpu.dma_semaphore, #tpu.memory_space<semaphore_mem>>
      %dma_start3A = arith.constant 0 : i32
      %dma_start3A_100 = tpu.memref_slice %arg8[%add3A_28, %dma_start3A] : memref<10240x128xf32, #tpu.memory_space<vmem_shared>> -> memref<32x128xf32, #tpu.memory_space<vmem_shared>>
      %dma_start3A_101 = arith.constant 0 : i32
      %dma_start3A_102 = tpu.memref_slice %arg8[%add3A_28, %dma_start3A_101] : memref<10240x128xf32, #tpu.memory_space<vmem_shared>> -> memref<32x128xf32, #tpu.memory_space<vmem_shared>>
      tpu.enqueue_dma source(%arg7 : memref<32x128xf32, #tpu.memory_space<vmem>>) target(%dma_start3A_102 : memref<32x128xf32, #tpu.memory_space<vmem_shared>>) target_semaphore(%run_scoped3A : memref<!tpu.dma_semaphore, #tpu.memory_space<semaphore_mem>>)
      %dma_wait3A = arith.constant 0 : i32
      %dma_wait3A_103 = tpu.memref_slice %arg8[%add3A_28, %dma_wait3A] : memref<10240x128xf32, #tpu.memory_space<vmem_shared>> -> memref<32x128xf32, #tpu.memory_space<vmem_shared>>
      %dma_wait3A_104 = arith.constant 0 : i32
      %dma_wait3A_105 = tpu.memref_slice %arg8[%add3A_28, %dma_wait3A_104] : memref<10240x128xf32, #tpu.memory_space<vmem_shared>> -> memref<32x128xf32, #tpu.memory_space<vmem_shared>>
      tpu.wait_dma2 semaphore(%run_scoped3A : memref<!tpu.dma_semaphore, #tpu.memory_space<semaphore_mem>>) src(%arg7 : memref<32x128xf32, #tpu.memory_space<vmem>>) dst(%dma_wait3A_105 : memref<32x128xf32, #tpu.memory_space<vmem_shared>>)
      tpu.yield
    }) : () -> ()
    %mul3A_29 = arith.constant 640 : i32
    %mul3A_30 = arith.muli %arg1, %mul3A_29 : i32
    %add3A_31 = arith.constant 160 : i32
    %add3A_32 = arith.addi %mul3A_30, %add3A_31 : i32
    "tpu.region"() ({
      %run_scoped3A = tpu.sem_alloc : memref<!tpu.dma_semaphore, #tpu.memory_space<semaphore_mem>>
      %dma_start3A = arith.constant 0 : i32
      %dma_start3A_100 = tpu.memref_slice %arg8[%add3A_32, %dma_start3A] : memref<10240x128xf32, #tpu.memory_space<vmem_shared>> -> memref<32x128xf32, #tpu.memory_space<vmem_shared>>
      %dma_start3A_101 = arith.constant 0 : i32
      %dma_start3A_102 = tpu.memref_slice %arg8[%add3A_32, %dma_start3A_101] : memref<10240x128xf32, #tpu.memory_space<vmem_shared>> -> memref<32x128xf32, #tpu.memory_space<vmem_shared>>
      tpu.enqueue_dma source(%arg7 : memref<32x128xf32, #tpu.memory_space<vmem>>) target(%dma_start3A_102 : memref<32x128xf32, #tpu.memory_space<vmem_shared>>) target_semaphore(%run_scoped3A : memref<!tpu.dma_semaphore, #tpu.memory_space<semaphore_mem>>)
      %dma_wait3A = arith.constant 0 : i32
      %dma_wait3A_103 = tpu.memref_slice %arg8[%add3A_32, %dma_wait3A] : memref<10240x128xf32, #tpu.memory_space<vmem_shared>> -> memref<32x128xf32, #tpu.memory_space<vmem_shared>>
      %dma_wait3A_104 = arith.constant 0 : i32
      %dma_wait3A_105 = tpu.memref_slice %arg8[%add3A_32, %dma_wait3A_104] : memref<10240x128xf32, #tpu.memory_space<vmem_shared>> -> memref<32x128xf32, #tpu.memory_space<vmem_shared>>
      tpu.wait_dma2 semaphore(%run_scoped3A : memref<!tpu.dma_semaphore, #tpu.memory_space<semaphore_mem>>) src(%arg7 : memref<32x128xf32, #tpu.memory_space<vmem>>) dst(%dma_wait3A_105 : memref<32x128xf32, #tpu.memory_space<vmem_shared>>)
      tpu.yield
    }) : () -> ()
    %mul3A_33 = arith.constant 640 : i32
    %mul3A_34 = arith.muli %arg1, %mul3A_33 : i32
    %add3A_35 = arith.constant 192 : i32
    %add3A_36 = arith.addi %mul3A_34, %add3A_35 : i32
    "tpu.region"() ({
      %run_scoped3A = tpu.sem_alloc : memref<!tpu.dma_semaphore, #tpu.memory_space<semaphore_mem>>
      %dma_start3A = arith.constant 0 : i32
      %dma_start3A_100 = tpu.memref_slice %arg8[%add3A_36, %dma_start3A] : memref<10240x128xf32, #tpu.memory_space<vmem_shared>> -> memref<32x128xf32, #tpu.memory_space<vmem_shared>>
      %dma_start3A_101 = arith.constant 0 : i32
      %dma_start3A_102 = tpu.memref_slice %arg8[%add3A_36, %dma_start3A_101] : memref<10240x128xf32, #tpu.memory_space<vmem_shared>> -> memref<32x128xf32, #tpu.memory_space<vmem_shared>>
      tpu.enqueue_dma source(%arg7 : memref<32x128xf32, #tpu.memory_space<vmem>>) target(%dma_start3A_102 : memref<32x128xf32, #tpu.memory_space<vmem_shared>>) target_semaphore(%run_scoped3A : memref<!tpu.dma_semaphore, #tpu.memory_space<semaphore_mem>>)
      %dma_wait3A = arith.constant 0 : i32
      %dma_wait3A_103 = tpu.memref_slice %arg8[%add3A_36, %dma_wait3A] : memref<10240x128xf32, #tpu.memory_space<vmem_shared>> -> memref<32x128xf32, #tpu.memory_space<vmem_shared>>
      %dma_wait3A_104 = arith.constant 0 : i32
      %dma_wait3A_105 = tpu.memref_slice %arg8[%add3A_36, %dma_wait3A_104] : memref<10240x128xf32, #tpu.memory_space<vmem_shared>> -> memref<32x128xf32, #tpu.memory_space<vmem_shared>>
      tpu.wait_dma2 semaphore(%run_scoped3A : memref<!tpu.dma_semaphore, #tpu.memory_space<semaphore_mem>>) src(%arg7 : memref<32x128xf32, #tpu.memory_space<vmem>>) dst(%dma_wait3A_105 : memref<32x128xf32, #tpu.memory_space<vmem_shared>>)
      tpu.yield
    }) : () -> ()
    %mul3A_37 = arith.constant 640 : i32
    %mul3A_38 = arith.muli %arg1, %mul3A_37 : i32
    %add3A_39 = arith.constant 224 : i32
    %add3A_40 = arith.addi %mul3A_38, %add3A_39 : i32
    "tpu.region"() ({
      %run_scoped3A = tpu.sem_alloc : memref<!tpu.dma_semaphore, #tpu.memory_space<semaphore_mem>>
      %dma_start3A = arith.constant 0 : i32
      %dma_start3A_100 = tpu.memref_slice %arg8[%add3A_40, %dma_start3A] : memref<10240x128xf32, #tpu.memory_space<vmem_shared>> -> memref<32x128xf32, #tpu.memory_space<vmem_shared>>
      %dma_start3A_101 = arith.constant 0 : i32
      %dma_start3A_102 = tpu.memref_slice %arg8[%add3A_40, %dma_start3A_101] : memref<10240x128xf32, #tpu.memory_space<vmem_shared>> -> memref<32x128xf32, #tpu.memory_space<vmem_shared>>
      tpu.enqueue_dma source(%arg7 : memref<32x128xf32, #tpu.memory_space<vmem>>) target(%dma_start3A_102 : memref<32x128xf32, #tpu.memory_space<vmem_shared>>) target_semaphore(%run_scoped3A : memref<!tpu.dma_semaphore, #tpu.memory_space<semaphore_mem>>)
      %dma_wait3A = arith.constant 0 : i32
      %dma_wait3A_103 = tpu.memref_slice %arg8[%add3A_40, %dma_wait3A] : memref<10240x128xf32, #tpu.memory_space<vmem_shared>> -> memref<32x128xf32, #tpu.memory_space<vmem_shared>>
      %dma_wait3A_104 = arith.constant 0 : i32
      %dma_wait3A_105 = tpu.memref_slice %arg8[%add3A_40, %dma_wait3A_104] : memref<10240x128xf32, #tpu.memory_space<vmem_shared>> -> memref<32x128xf32, #tpu.memory_space<vmem_shared>>
      tpu.wait_dma2 semaphore(%run_scoped3A : memref<!tpu.dma_semaphore, #tpu.memory_space<semaphore_mem>>) src(%arg7 : memref<32x128xf32, #tpu.memory_space<vmem>>) dst(%dma_wait3A_105 : memref<32x128xf32, #tpu.memory_space<vmem_shared>>)
      tpu.yield
    }) : () -> ()
    %mul3A_41 = arith.constant 640 : i32
    %mul3A_42 = arith.muli %arg1, %mul3A_41 : i32
    %add3A_43 = arith.constant 256 : i32
    %add3A_44 = arith.addi %mul3A_42, %add3A_43 : i32
    "tpu.region"() ({
      %run_scoped3A = tpu.sem_alloc : memref<!tpu.dma_semaphore, #tpu.memory_space<semaphore_mem>>
      %dma_start3A = arith.constant 0 : i32
      %dma_start3A_100 = tpu.memref_slice %arg8[%add3A_44, %dma_start3A] : memref<10240x128xf32, #tpu.memory_space<vmem_shared>> -> memref<32x128xf32, #tpu.memory_space<vmem_shared>>
      %dma_start3A_101 = arith.constant 0 : i32
      %dma_start3A_102 = tpu.memref_slice %arg8[%add3A_44, %dma_start3A_101] : memref<10240x128xf32, #tpu.memory_space<vmem_shared>> -> memref<32x128xf32, #tpu.memory_space<vmem_shared>>
      tpu.enqueue_dma source(%arg7 : memref<32x128xf32, #tpu.memory_space<vmem>>) target(%dma_start3A_102 : memref<32x128xf32, #tpu.memory_space<vmem_shared>>) target_semaphore(%run_scoped3A : memref<!tpu.dma_semaphore, #tpu.memory_space<semaphore_mem>>)
      %dma_wait3A = arith.constant 0 : i32
      %dma_wait3A_103 = tpu.memref_slice %arg8[%add3A_44, %dma_wait3A] : memref<10240x128xf32, #tpu.memory_space<vmem_shared>> -> memref<32x128xf32, #tpu.memory_space<vmem_shared>>
      %dma_wait3A_104 = arith.constant 0 : i32
      %dma_wait3A_105 = tpu.memref_slice %arg8[%add3A_44, %dma_wait3A_104] : memref<10240x128xf32, #tpu.memory_space<vmem_shared>> -> memref<32x128xf32, #tpu.memory_space<vmem_shared>>
      tpu.wait_dma2 semaphore(%run_scoped3A : memref<!tpu.dma_semaphore, #tpu.memory_space<semaphore_mem>>) src(%arg7 : memref<32x128xf32, #tpu.memory_space<vmem>>) dst(%dma_wait3A_105 : memref<32x128xf32, #tpu.memory_space<vmem_shared>>)
      tpu.yield
    }) : () -> ()
    %mul3A_45 = arith.constant 640 : i32
    %mul3A_46 = arith.muli %arg1, %mul3A_45 : i32
    %add3A_47 = arith.constant 288 : i32
    %add3A_48 = arith.addi %mul3A_46, %add3A_47 : i32
    "tpu.region"() ({
      %run_scoped3A = tpu.sem_alloc : memref<!tpu.dma_semaphore, #tpu.memory_space<semaphore_mem>>
      %dma_start3A = arith.constant 0 : i32
      %dma_start3A_100 = tpu.memref_slice %arg8[%add3A_48, %dma_start3A] : memref<10240x128xf32, #tpu.memory_space<vmem_shared>> -> memref<32x128xf32, #tpu.memory_space<vmem_shared>>
      %dma_start3A_101 = arith.constant 0 : i32
      %dma_start3A_102 = tpu.memref_slice %arg8[%add3A_48, %dma_start3A_101] : memref<10240x128xf32, #tpu.memory_space<vmem_shared>> -> memref<32x128xf32, #tpu.memory_space<vmem_shared>>
      tpu.enqueue_dma source(%arg7 : memref<32x128xf32, #tpu.memory_space<vmem>>) target(%dma_start3A_102 : memref<32x128xf32, #tpu.memory_space<vmem_shared>>) target_semaphore(%run_scoped3A : memref<!tpu.dma_semaphore, #tpu.memory_space<semaphore_mem>>)
      %dma_wait3A = arith.constant 0 : i32
      %dma_wait3A_103 = tpu.memref_slice %arg8[%add3A_48, %dma_wait3A] : memref<10240x128xf32, #tpu.memory_space<vmem_shared>> -> memref<32x128xf32, #tpu.memory_space<vmem_shared>>
      %dma_wait3A_104 = arith.constant 0 : i32
      %dma_wait3A_105 = tpu.memref_slice %arg8[%add3A_48, %dma_wait3A_104] : memref<10240x128xf32, #tpu.memory_space<vmem_shared>> -> memref<32x128xf32, #tpu.memory_space<vmem_shared>>
      tpu.wait_dma2 semaphore(%run_scoped3A : memref<!tpu.dma_semaphore, #tpu.memory_space<semaphore_mem>>) src(%arg7 : memref<32x128xf32, #tpu.memory_space<vmem>>) dst(%dma_wait3A_105 : memref<32x128xf32, #tpu.memory_space<vmem_shared>>)
      tpu.yield
    }) : () -> ()
    %mul3A_49 = arith.constant 640 : i32
    %mul3A_50 = arith.muli %arg1, %mul3A_49 : i32
    %add3A_51 = arith.constant 320 : i32
    %add3A_52 = arith.addi %mul3A_50, %add3A_51 : i32
    "tpu.region"() ({
      %run_scoped3A = tpu.sem_alloc : memref<!tpu.dma_semaphore, #tpu.memory_space<semaphore_mem>>
      %dma_start3A = arith.constant 0 : i32
      %dma_start3A_100 = tpu.memref_slice %arg8[%add3A_52, %dma_start3A] : memref<10240x128xf32, #tpu.memory_space<vmem_shared>> -> memref<32x128xf32, #tpu.memory_space<vmem_shared>>
      %dma_start3A_101 = arith.constant 0 : i32
      %dma_start3A_102 = tpu.memref_slice %arg8[%add3A_52, %dma_start3A_101] : memref<10240x128xf32, #tpu.memory_space<vmem_shared>> -> memref<32x128xf32, #tpu.memory_space<vmem_shared>>
      tpu.enqueue_dma source(%arg7 : memref<32x128xf32, #tpu.memory_space<vmem>>) target(%dma_start3A_102 : memref<32x128xf32, #tpu.memory_space<vmem_shared>>) target_semaphore(%run_scoped3A : memref<!tpu.dma_semaphore, #tpu.memory_space<semaphore_mem>>)
      %dma_wait3A = arith.constant 0 : i32
      %dma_wait3A_103 = tpu.memref_slice %arg8[%add3A_52, %dma_wait3A] : memref<10240x128xf32, #tpu.memory_space<vmem_shared>> -> memref<32x128xf32, #tpu.memory_space<vmem_shared>>
      %dma_wait3A_104 = arith.constant 0 : i32
      %dma_wait3A_105 = tpu.memref_slice %arg8[%add3A_52, %dma_wait3A_104] : memref<10240x128xf32, #tpu.memory_space<vmem_shared>> -> memref<32x128xf32, #tpu.memory_space<vmem_shared>>
      tpu.wait_dma2 semaphore(%run_scoped3A : memref<!tpu.dma_semaphore, #tpu.memory_space<semaphore_mem>>) src(%arg7 : memref<32x128xf32, #tpu.memory_space<vmem>>) dst(%dma_wait3A_105 : memref<32x128xf32, #tpu.memory_space<vmem_shared>>)
      tpu.yield
    }) : () -> ()
    %mul3A_53 = arith.constant 640 : i32
    %mul3A_54 = arith.muli %arg1, %mul3A_53 : i32
    %add3A_55 = arith.constant 352 : i32
    %add3A_56 = arith.addi %mul3A_54, %add3A_55 : i32
    "tpu.region"() ({
      %run_scoped3A = tpu.sem_alloc : memref<!tpu.dma_semaphore, #tpu.memory_space<semaphore_mem>>
      %dma_start3A = arith.constant 0 : i32
      %dma_start3A_100 = tpu.memref_slice %arg8[%add3A_56, %dma_start3A] : memref<10240x128xf32, #tpu.memory_space<vmem_shared>> -> memref<32x128xf32, #tpu.memory_space<vmem_shared>>
      %dma_start3A_101 = arith.constant 0 : i32
      %dma_start3A_102 = tpu.memref_slice %arg8[%add3A_56, %dma_start3A_101] : memref<10240x128xf32, #tpu.memory_space<vmem_shared>> -> memref<32x128xf32, #tpu.memory_space<vmem_shared>>
      tpu.enqueue_dma source(%arg7 : memref<32x128xf32, #tpu.memory_space<vmem>>) target(%dma_start3A_102 : memref<32x128xf32, #tpu.memory_space<vmem_shared>>) target_semaphore(%run_scoped3A : memref<!tpu.dma_semaphore, #tpu.memory_space<semaphore_mem>>)
      %dma_wait3A = arith.constant 0 : i32
      %dma_wait3A_103 = tpu.memref_slice %arg8[%add3A_56, %dma_wait3A] : memref<10240x128xf32, #tpu.memory_space<vmem_shared>> -> memref<32x128xf32, #tpu.memory_space<vmem_shared>>
      %dma_wait3A_104 = arith.constant 0 : i32
      %dma_wait3A_105 = tpu.memref_slice %arg8[%add3A_56, %dma_wait3A_104] : memref<10240x128xf32, #tpu.memory_space<vmem_shared>> -> memref<32x128xf32, #tpu.memory_space<vmem_shared>>
      tpu.wait_dma2 semaphore(%run_scoped3A : memref<!tpu.dma_semaphore, #tpu.memory_space<semaphore_mem>>) src(%arg7 : memref<32x128xf32, #tpu.memory_space<vmem>>) dst(%dma_wait3A_105 : memref<32x128xf32, #tpu.memory_space<vmem_shared>>)
      tpu.yield
    }) : () -> ()
    %mul3A_57 = arith.constant 640 : i32
    %mul3A_58 = arith.muli %arg1, %mul3A_57 : i32
    %add3A_59 = arith.constant 384 : i32
    %add3A_60 = arith.addi %mul3A_58, %add3A_59 : i32
    "tpu.region"() ({
      %run_scoped3A = tpu.sem_alloc : memref<!tpu.dma_semaphore, #tpu.memory_space<semaphore_mem>>
      %dma_start3A = arith.constant 0 : i32
      %dma_start3A_100 = tpu.memref_slice %arg8[%add3A_60, %dma_start3A] : memref<10240x128xf32, #tpu.memory_space<vmem_shared>> -> memref<32x128xf32, #tpu.memory_space<vmem_shared>>
      %dma_start3A_101 = arith.constant 0 : i32
      %dma_start3A_102 = tpu.memref_slice %arg8[%add3A_60, %dma_start3A_101] : memref<10240x128xf32, #tpu.memory_space<vmem_shared>> -> memref<32x128xf32, #tpu.memory_space<vmem_shared>>
      tpu.enqueue_dma source(%arg7 : memref<32x128xf32, #tpu.memory_space<vmem>>) target(%dma_start3A_102 : memref<32x128xf32, #tpu.memory_space<vmem_shared>>) target_semaphore(%run_scoped3A : memref<!tpu.dma_semaphore, #tpu.memory_space<semaphore_mem>>)
      %dma_wait3A = arith.constant 0 : i32
      %dma_wait3A_103 = tpu.memref_slice %arg8[%add3A_60, %dma_wait3A] : memref<10240x128xf32, #tpu.memory_space<vmem_shared>> -> memref<32x128xf32, #tpu.memory_space<vmem_shared>>
      %dma_wait3A_104 = arith.constant 0 : i32
      %dma_wait3A_105 = tpu.memref_slice %arg8[%add3A_60, %dma_wait3A_104] : memref<10240x128xf32, #tpu.memory_space<vmem_shared>> -> memref<32x128xf32, #tpu.memory_space<vmem_shared>>
      tpu.wait_dma2 semaphore(%run_scoped3A : memref<!tpu.dma_semaphore, #tpu.memory_space<semaphore_mem>>) src(%arg7 : memref<32x128xf32, #tpu.memory_space<vmem>>) dst(%dma_wait3A_105 : memref<32x128xf32, #tpu.memory_space<vmem_shared>>)
      tpu.yield
    }) : () -> ()
    %mul3A_61 = arith.constant 640 : i32
    %mul3A_62 = arith.muli %arg1, %mul3A_61 : i32
    %add3A_63 = arith.constant 416 : i32
    %add3A_64 = arith.addi %mul3A_62, %add3A_63 : i32
    "tpu.region"() ({
      %run_scoped3A = tpu.sem_alloc : memref<!tpu.dma_semaphore, #tpu.memory_space<semaphore_mem>>
      %dma_start3A = arith.constant 0 : i32
      %dma_start3A_100 = tpu.memref_slice %arg8[%add3A_64, %dma_start3A] : memref<10240x128xf32, #tpu.memory_space<vmem_shared>> -> memref<32x128xf32, #tpu.memory_space<vmem_shared>>
      %dma_start3A_101 = arith.constant 0 : i32
      %dma_start3A_102 = tpu.memref_slice %arg8[%add3A_64, %dma_start3A_101] : memref<10240x128xf32, #tpu.memory_space<vmem_shared>> -> memref<32x128xf32, #tpu.memory_space<vmem_shared>>
      tpu.enqueue_dma source(%arg7 : memref<32x128xf32, #tpu.memory_space<vmem>>) target(%dma_start3A_102 : memref<32x128xf32, #tpu.memory_space<vmem_shared>>) target_semaphore(%run_scoped3A : memref<!tpu.dma_semaphore, #tpu.memory_space<semaphore_mem>>)
      %dma_wait3A = arith.constant 0 : i32
      %dma_wait3A_103 = tpu.memref_slice %arg8[%add3A_64, %dma_wait3A] : memref<10240x128xf32, #tpu.memory_space<vmem_shared>> -> memref<32x128xf32, #tpu.memory_space<vmem_shared>>
      %dma_wait3A_104 = arith.constant 0 : i32
      %dma_wait3A_105 = tpu.memref_slice %arg8[%add3A_64, %dma_wait3A_104] : memref<10240x128xf32, #tpu.memory_space<vmem_shared>> -> memref<32x128xf32, #tpu.memory_space<vmem_shared>>
      tpu.wait_dma2 semaphore(%run_scoped3A : memref<!tpu.dma_semaphore, #tpu.memory_space<semaphore_mem>>) src(%arg7 : memref<32x128xf32, #tpu.memory_space<vmem>>) dst(%dma_wait3A_105 : memref<32x128xf32, #tpu.memory_space<vmem_shared>>)
      tpu.yield
    }) : () -> ()
    %mul3A_65 = arith.constant 640 : i32
    %mul3A_66 = arith.muli %arg1, %mul3A_65 : i32
    %add3A_67 = arith.constant 448 : i32
    %add3A_68 = arith.addi %mul3A_66, %add3A_67 : i32
    "tpu.region"() ({
      %run_scoped3A = tpu.sem_alloc : memref<!tpu.dma_semaphore, #tpu.memory_space<semaphore_mem>>
      %dma_start3A = arith.constant 0 : i32
      %dma_start3A_100 = tpu.memref_slice %arg8[%add3A_68, %dma_start3A] : memref<10240x128xf32, #tpu.memory_space<vmem_shared>> -> memref<32x128xf32, #tpu.memory_space<vmem_shared>>
      %dma_start3A_101 = arith.constant 0 : i32
      %dma_start3A_102 = tpu.memref_slice %arg8[%add3A_68, %dma_start3A_101] : memref<10240x128xf32, #tpu.memory_space<vmem_shared>> -> memref<32x128xf32, #tpu.memory_space<vmem_shared>>
      tpu.enqueue_dma source(%arg7 : memref<32x128xf32, #tpu.memory_space<vmem>>) target(%dma_start3A_102 : memref<32x128xf32, #tpu.memory_space<vmem_shared>>) target_semaphore(%run_scoped3A : memref<!tpu.dma_semaphore, #tpu.memory_space<semaphore_mem>>)
      %dma_wait3A = arith.constant 0 : i32
      %dma_wait3A_103 = tpu.memref_slice %arg8[%add3A_68, %dma_wait3A] : memref<10240x128xf32, #tpu.memory_space<vmem_shared>> -> memref<32x128xf32, #tpu.memory_space<vmem_shared>>
      %dma_wait3A_104 = arith.constant 0 : i32
      %dma_wait3A_105 = tpu.memref_slice %arg8[%add3A_68, %dma_wait3A_104] : memref<10240x128xf32, #tpu.memory_space<vmem_shared>> -> memref<32x128xf32, #tpu.memory_space<vmem_shared>>
      tpu.wait_dma2 semaphore(%run_scoped3A : memref<!tpu.dma_semaphore, #tpu.memory_space<semaphore_mem>>) src(%arg7 : memref<32x128xf32, #tpu.memory_space<vmem>>) dst(%dma_wait3A_105 : memref<32x128xf32, #tpu.memory_space<vmem_shared>>)
      tpu.yield
    }) : () -> ()
    %mul3A_69 = arith.constant 640 : i32
    %mul3A_70 = arith.muli %arg1, %mul3A_69 : i32
    %add3A_71 = arith.constant 480 : i32
    %add3A_72 = arith.addi %mul3A_70, %add3A_71 : i32
    "tpu.region"() ({
      %run_scoped3A = tpu.sem_alloc : memref<!tpu.dma_semaphore, #tpu.memory_space<semaphore_mem>>
      %dma_start3A = arith.constant 0 : i32
      %dma_start3A_100 = tpu.memref_slice %arg8[%add3A_72, %dma_start3A] : memref<10240x128xf32, #tpu.memory_space<vmem_shared>> -> memref<32x128xf32, #tpu.memory_space<vmem_shared>>
      %dma_start3A_101 = arith.constant 0 : i32
      %dma_start3A_102 = tpu.memref_slice %arg8[%add3A_72, %dma_start3A_101] : memref<10240x128xf32, #tpu.memory_space<vmem_shared>> -> memref<32x128xf32, #tpu.memory_space<vmem_shared>>
      tpu.enqueue_dma source(%arg7 : memref<32x128xf32, #tpu.memory_space<vmem>>) target(%dma_start3A_102 : memref<32x128xf32, #tpu.memory_space<vmem_shared>>) target_semaphore(%run_scoped3A : memref<!tpu.dma_semaphore, #tpu.memory_space<semaphore_mem>>)
      %dma_wait3A = arith.constant 0 : i32
      %dma_wait3A_103 = tpu.memref_slice %arg8[%add3A_72, %dma_wait3A] : memref<10240x128xf32, #tpu.memory_space<vmem_shared>> -> memref<32x128xf32, #tpu.memory_space<vmem_shared>>
      %dma_wait3A_104 = arith.constant 0 : i32
      %dma_wait3A_105 = tpu.memref_slice %arg8[%add3A_72, %dma_wait3A_104] : memref<10240x128xf32, #tpu.memory_space<vmem_shared>> -> memref<32x128xf32, #tpu.memory_space<vmem_shared>>
      tpu.wait_dma2 semaphore(%run_scoped3A : memref<!tpu.dma_semaphore, #tpu.memory_space<semaphore_mem>>) src(%arg7 : memref<32x128xf32, #tpu.memory_space<vmem>>) dst(%dma_wait3A_105 : memref<32x128xf32, #tpu.memory_space<vmem_shared>>)
      tpu.yield
    }) : () -> ()
    %mul3A_73 = arith.constant 640 : i32
    %mul3A_74 = arith.muli %arg1, %mul3A_73 : i32
    %add3A_75 = arith.constant 512 : i32
    %add3A_76 = arith.addi %mul3A_74, %add3A_75 : i32
    "tpu.region"() ({
      %run_scoped3A = tpu.sem_alloc : memref<!tpu.dma_semaphore, #tpu.memory_space<semaphore_mem>>
      %dma_start3A = arith.constant 0 : i32
      %dma_start3A_100 = tpu.memref_slice %arg8[%add3A_76, %dma_start3A] : memref<10240x128xf32, #tpu.memory_space<vmem_shared>> -> memref<32x128xf32, #tpu.memory_space<vmem_shared>>
      %dma_start3A_101 = arith.constant 0 : i32
      %dma_start3A_102 = tpu.memref_slice %arg8[%add3A_76, %dma_start3A_101] : memref<10240x128xf32, #tpu.memory_space<vmem_shared>> -> memref<32x128xf32, #tpu.memory_space<vmem_shared>>
      tpu.enqueue_dma source(%arg7 : memref<32x128xf32, #tpu.memory_space<vmem>>) target(%dma_start3A_102 : memref<32x128xf32, #tpu.memory_space<vmem_shared>>) target_semaphore(%run_scoped3A : memref<!tpu.dma_semaphore, #tpu.memory_space<semaphore_mem>>)
      %dma_wait3A = arith.constant 0 : i32
      %dma_wait3A_103 = tpu.memref_slice %arg8[%add3A_76, %dma_wait3A] : memref<10240x128xf32, #tpu.memory_space<vmem_shared>> -> memref<32x128xf32, #tpu.memory_space<vmem_shared>>
      %dma_wait3A_104 = arith.constant 0 : i32
      %dma_wait3A_105 = tpu.memref_slice %arg8[%add3A_76, %dma_wait3A_104] : memref<10240x128xf32, #tpu.memory_space<vmem_shared>> -> memref<32x128xf32, #tpu.memory_space<vmem_shared>>
      tpu.wait_dma2 semaphore(%run_scoped3A : memref<!tpu.dma_semaphore, #tpu.memory_space<semaphore_mem>>) src(%arg7 : memref<32x128xf32, #tpu.memory_space<vmem>>) dst(%dma_wait3A_105 : memref<32x128xf32, #tpu.memory_space<vmem_shared>>)
      tpu.yield
    }) : () -> ()
    %mul3A_77 = arith.constant 640 : i32
    %mul3A_78 = arith.muli %arg1, %mul3A_77 : i32
    %add3A_79 = arith.constant 544 : i32
    %add3A_80 = arith.addi %mul3A_78, %add3A_79 : i32
    "tpu.region"() ({
      %run_scoped3A = tpu.sem_alloc : memref<!tpu.dma_semaphore, #tpu.memory_space<semaphore_mem>>
      %dma_start3A = arith.constant 0 : i32
      %dma_start3A_100 = tpu.memref_slice %arg8[%add3A_80, %dma_start3A] : memref<10240x128xf32, #tpu.memory_space<vmem_shared>> -> memref<32x128xf32, #tpu.memory_space<vmem_shared>>
      %dma_start3A_101 = arith.constant 0 : i32
      %dma_start3A_102 = tpu.memref_slice %arg8[%add3A_80, %dma_start3A_101] : memref<10240x128xf32, #tpu.memory_space<vmem_shared>> -> memref<32x128xf32, #tpu.memory_space<vmem_shared>>
      tpu.enqueue_dma source(%arg7 : memref<32x128xf32, #tpu.memory_space<vmem>>) target(%dma_start3A_102 : memref<32x128xf32, #tpu.memory_space<vmem_shared>>) target_semaphore(%run_scoped3A : memref<!tpu.dma_semaphore, #tpu.memory_space<semaphore_mem>>)
      %dma_wait3A = arith.constant 0 : i32
      %dma_wait3A_103 = tpu.memref_slice %arg8[%add3A_80, %dma_wait3A] : memref<10240x128xf32, #tpu.memory_space<vmem_shared>> -> memref<32x128xf32, #tpu.memory_space<vmem_shared>>
      %dma_wait3A_104 = arith.constant 0 : i32
      %dma_wait3A_105 = tpu.memref_slice %arg8[%add3A_80, %dma_wait3A_104] : memref<10240x128xf32, #tpu.memory_space<vmem_shared>> -> memref<32x128xf32, #tpu.memory_space<vmem_shared>>
      tpu.wait_dma2 semaphore(%run_scoped3A : memref<!tpu.dma_semaphore, #tpu.memory_space<semaphore_mem>>) src(%arg7 : memref<32x128xf32, #tpu.memory_space<vmem>>) dst(%dma_wait3A_105 : memref<32x128xf32, #tpu.memory_space<vmem_shared>>)
      tpu.yield
    }) : () -> ()
    %mul3A_81 = arith.constant 640 : i32
    %mul3A_82 = arith.muli %arg1, %mul3A_81 : i32
    %add3A_83 = arith.constant 576 : i32
    %add3A_84 = arith.addi %mul3A_82, %add3A_83 : i32
    "tpu.region"() ({
      %run_scoped3A = tpu.sem_alloc : memref<!tpu.dma_semaphore, #tpu.memory_space<semaphore_mem>>
      %dma_start3A = arith.constant 0 : i32
      %dma_start3A_100 = tpu.memref_slice %arg8[%add3A_84, %dma_start3A] : memref<10240x128xf32, #tpu.memory_space<vmem_shared>> -> memref<32x128xf32, #tpu.memory_space<vmem_shared>>
      %dma_start3A_101 = arith.constant 0 : i32
      %dma_start3A_102 = tpu.memref_slice %arg8[%add3A_84, %dma_start3A_101] : memref<10240x128xf32, #tpu.memory_space<vmem_shared>> -> memref<32x128xf32, #tpu.memory_space<vmem_shared>>
      tpu.enqueue_dma source(%arg7 : memref<32x128xf32, #tpu.memory_space<vmem>>) target(%dma_start3A_102 : memref<32x128xf32, #tpu.memory_space<vmem_shared>>) target_semaphore(%run_scoped3A : memref<!tpu.dma_semaphore, #tpu.memory_space<semaphore_mem>>)
      %dma_wait3A = arith.constant 0 : i32
      %dma_wait3A_103 = tpu.memref_slice %arg8[%add3A_84, %dma_wait3A] : memref<10240x128xf32, #tpu.memory_space<vmem_shared>> -> memref<32x128xf32, #tpu.memory_space<vmem_shared>>
      %dma_wait3A_104 = arith.constant 0 : i32
      %dma_wait3A_105 = tpu.memref_slice %arg8[%add3A_84, %dma_wait3A_104] : memref<10240x128xf32, #tpu.memory_space<vmem_shared>> -> memref<32x128xf32, #tpu.memory_space<vmem_shared>>
      tpu.wait_dma2 semaphore(%run_scoped3A : memref<!tpu.dma_semaphore, #tpu.memory_space<semaphore_mem>>) src(%arg7 : memref<32x128xf32, #tpu.memory_space<vmem>>) dst(%dma_wait3A_105 : memref<32x128xf32, #tpu.memory_space<vmem_shared>>)
      tpu.yield
    }) : () -> ()
    %mul3A_85 = arith.constant 640 : i32
    %mul3A_86 = arith.muli %arg1, %mul3A_85 : i32
    %add3A_87 = arith.constant 608 : i32
    %add3A_88 = arith.addi %mul3A_86, %add3A_87 : i32
    "tpu.region"() ({
      %run_scoped3A = tpu.sem_alloc : memref<!tpu.dma_semaphore, #tpu.memory_space<semaphore_mem>>
      %dma_start3A = arith.constant 0 : i32
      %dma_start3A_100 = tpu.memref_slice %arg8[%add3A_88, %dma_start3A] : memref<10240x128xf32, #tpu.memory_space<vmem_shared>> -> memref<32x128xf32, #tpu.memory_space<vmem_shared>>
      %dma_start3A_101 = arith.constant 0 : i32
      %dma_start3A_102 = tpu.memref_slice %arg8[%add3A_88, %dma_start3A_101] : memref<10240x128xf32, #tpu.memory_space<vmem_shared>> -> memref<32x128xf32, #tpu.memory_space<vmem_shared>>
      tpu.enqueue_dma source(%arg7 : memref<32x128xf32, #tpu.memory_space<vmem>>) target(%dma_start3A_102 : memref<32x128xf32, #tpu.memory_space<vmem_shared>>) target_semaphore(%run_scoped3A : memref<!tpu.dma_semaphore, #tpu.memory_space<semaphore_mem>>)
      %dma_wait3A = arith.constant 0 : i32
      %dma_wait3A_103 = tpu.memref_slice %arg8[%add3A_88, %dma_wait3A] : memref<10240x128xf32, #tpu.memory_space<vmem_shared>> -> memref<32x128xf32, #tpu.memory_space<vmem_shared>>
      %dma_wait3A_104 = arith.constant 0 : i32
      %dma_wait3A_105 = tpu.memref_slice %arg8[%add3A_88, %dma_wait3A_104] : memref<10240x128xf32, #tpu.memory_space<vmem_shared>> -> memref<32x128xf32, #tpu.memory_space<vmem_shared>>
      tpu.wait_dma2 semaphore(%run_scoped3A : memref<!tpu.dma_semaphore, #tpu.memory_space<semaphore_mem>>) src(%arg7 : memref<32x128xf32, #tpu.memory_space<vmem>>) dst(%dma_wait3A_105 : memref<32x128xf32, #tpu.memory_space<vmem_shared>>)
      tpu.yield
    }) : () -> ()
    %barrier3A = arith.constant 0 : index
    tpu.barrier barrier_id(%barrier3A)
    %scan3A_89 = arith.constant 0 : i32
    %scan3A_90 = arith.constant 0 : i32
    %scan3A_91 = arith.constant 40 : i32
    %scan3A_92 = arith.addi %scan3A_90, %scan3A_91 : i32
    %scan3A_93 = arith.constant 1 : i32
    scf.for %scan3A_100 = %scan3A_90 to %scan3A_92 step %scan3A_93  : i32 {
      %mul3A_101 = arith.constant 256 : i32
      %mul3A_102 = arith.muli %scan3A_100, %mul3A_101 : i32
      %add3A_103 = arith.addi %add3A, %mul3A_102 : i32
      %multiple_of3A = tpu.assume_multiple %add3A_103, 256 : i32
      %jit3A = arith.constant 128 : i32
      %div3A = arith.divsi %multiple_of3A, %jit3A : i32
      %sign3A = arith.constant 0 : i32
      %sign3A_104 = arith.cmpi sgt, %multiple_of3A, %sign3A : i32
      %sign3A_105 = arith.extui %sign3A_104 : i1 to i32
      %sign3A_106 = arith.constant 0 : i32
      %sign3A_107 = arith.cmpi slt, %multiple_of3A, %sign3A_106 : i32
      %sign3A_108 = arith.extui %sign3A_107 : i1 to i32
      %sign3A_109 = arith.subi %sign3A_105, %sign3A_108 : i32
      %sign3A_110 = arith.constant 0 : i32
      %sign3A_111 = arith.cmpi sgt, %jit3A, %sign3A_110 : i32
      %sign3A_112 = arith.extui %sign3A_111 : i1 to i32
      %sign3A_113 = arith.constant 0 : i32
      %sign3A_114 = arith.cmpi slt, %jit3A, %sign3A_113 : i32
      %sign3A_115 = arith.extui %sign3A_114 : i1 to i32
      %sign3A_116 = arith.subi %sign3A_112, %sign3A_115 : i32
      %ne3A = arith.cmpi ne, %sign3A_109, %sign3A_116 : i32
      %rem3A = arith.remsi %multiple_of3A, %jit3A : i32
      %ne3A_117 = arith.constant 0 : i32
      %ne3A_118 = arith.cmpi ne, %rem3A, %ne3A_117 : i32
      %and3A = arith.andi %ne3A, %ne3A_118 : i1
      %sub3A = arith.constant 1 : i32
      %sub3A_119 = arith.subi %div3A, %sub3A : i32
      %select_n3A = arith.select %and3A, %sub3A_119, %div3A : i32
      %multiple_of3A_120 = tpu.assume_multiple %select_n3A, 2 : i32
      "tpu.region"() ({
        %run_scoped3A_122 = tpu.sem_alloc : memref<!tpu.dma_semaphore, #tpu.memory_space<semaphore_mem>>
        %dma_start3A = arith.constant 0 : i32
        %dma_start3A_123 = tpu.memref_slice %arg2[%multiple_of3A_120, %dma_start3A] : memref<2560x128xi32, #tpu.memory_space<hbm>> -> memref<2x128xi32, #tpu.memory_space<hbm>>
        %dma_start3A_124 = arith.constant 0 : i32
        %dma_start3A_125 = tpu.memref_slice %arg2[%multiple_of3A_120, %dma_start3A_124] : memref<2560x128xi32, #tpu.memory_space<hbm>> -> memref<2x128xi32, #tpu.memory_space<hbm>>
        tpu.enqueue_dma source(%dma_start3A_125 : memref<2x128xi32, #tpu.memory_space<hbm>>) target(%arg5 : memref<2x128xi32, #tpu.memory_space<vmem>>) target_semaphore(%run_scoped3A_122 : memref<!tpu.dma_semaphore, #tpu.memory_space<semaphore_mem>>)
        %dma_wait3A = arith.constant 0 : i32
        %dma_wait3A_126 = tpu.memref_slice %arg2[%multiple_of3A_120, %dma_wait3A] : memref<2560x128xi32, #tpu.memory_space<hbm>> -> memref<2x128xi32, #tpu.memory_space<hbm>>
        %dma_wait3A_127 = arith.constant 0 : i32
        %dma_wait3A_128 = tpu.memref_slice %arg2[%multiple_of3A_120, %dma_wait3A_127] : memref<2560x128xi32, #tpu.memory_space<hbm>> -> memref<2x128xi32, #tpu.memory_space<hbm>>
        tpu.wait_dma2 semaphore(%run_scoped3A_122 : memref<!tpu.dma_semaphore, #tpu.memory_space<semaphore_mem>>) src(%dma_wait3A_128 : memref<2x128xi32, #tpu.memory_space<hbm>>) dst(%arg5 : memref<2x128xi32, #tpu.memory_space<vmem>>)
        tpu.yield
      }) : () -> ()
      "tpu.region"() ({
        %run_scoped3A_122 = tpu.sem_alloc : memref<!tpu.dma_semaphore, #tpu.memory_space<semaphore_mem>>
        %dma_start3A = arith.constant 0 : i32
        %dma_start3A_123 = tpu.memref_slice %arg3[%multiple_of3A, %dma_start3A] : memref<327680x128xf32, #tpu.memory_space<hbm>> -> memref<256x128xf32, #tpu.memory_space<hbm>>
        %dma_start3A_124 = arith.constant 0 : i32
        %dma_start3A_125 = tpu.memref_slice %arg3[%multiple_of3A, %dma_start3A_124] : memref<327680x128xf32, #tpu.memory_space<hbm>> -> memref<256x128xf32, #tpu.memory_space<hbm>>
        tpu.enqueue_dma source(%dma_start3A_125 : memref<256x128xf32, #tpu.memory_space<hbm>>) target(%arg6 : memref<256x128xf32, #tpu.memory_space<vmem>>) target_semaphore(%run_scoped3A_122 : memref<!tpu.dma_semaphore, #tpu.memory_space<semaphore_mem>>)
        %dma_wait3A = arith.constant 0 : i32
        %dma_wait3A_126 = tpu.memref_slice %arg3[%multiple_of3A, %dma_wait3A] : memref<327680x128xf32, #tpu.memory_space<hbm>> -> memref<256x128xf32, #tpu.memory_space<hbm>>
        %dma_wait3A_127 = arith.constant 0 : i32
        %dma_wait3A_128 = tpu.memref_slice %arg3[%multiple_of3A, %dma_wait3A_127] : memref<327680x128xf32, #tpu.memory_space<hbm>> -> memref<256x128xf32, #tpu.memory_space<hbm>>
        tpu.wait_dma2 semaphore(%run_scoped3A_122 : memref<!tpu.dma_semaphore, #tpu.memory_space<semaphore_mem>>) src(%dma_wait3A_128 : memref<256x128xf32, #tpu.memory_space<hbm>>) dst(%arg6 : memref<256x128xf32, #tpu.memory_space<vmem>>)
        tpu.yield
      }) : () -> ()
      %run_scoped3A = arith.constant 0 : i32
      "tpu.region"() ({
        %run_scoped3A_122 = tpu.sem_alloc : memref<!tpu.dma_semaphore, #tpu.memory_space<semaphore_mem>>
        %dma_start3A = arith.constant 0 : i32
        %dma_start3A_123 = arith.constant 0 : i32
        %dma_start3A_124 = tpu.memref_slice %arg6[%dma_start3A, %dma_start3A_123] : memref<256x128xf32, #tpu.memory_space<vmem>> -> memref<128x128xf32, #tpu.memory_space<vmem>>
        %dma_start3A_125 = arith.constant 0 : i32
        %dma_start3A_126 = tpu.memref_slice %arg5[%run_scoped3A, %dma_start3A_125] : memref<2x128xi32, #tpu.memory_space<vmem>> -> memref<1x128xi32, #tpu.memory_space<vmem>>
        %dma_start3A_127 = tpu.memref_squeeze %dma_start3A_126 : memref<1x128xi32, #tpu.memory_space<vmem>> -> memref<128xi32, #tpu.memory_space<vmem>>
        %dma_start3A_128 = arith.constant 0 : i32
        %dma_start3A_129 = arith.constant 0 : i32
        %dma_start3A_130 = tpu.memref_slice %arg8[%dma_start3A_128, %dma_start3A_129] : memref<10240x128xf32, #tpu.memory_space<vmem_shared>> -> memref<10240x128xf32, #tpu.memory_space<vmem_shared>>
        tpu.enqueue_indirect_dma source(%dma_start3A_124 : memref<128x128xf32, #tpu.memory_space<vmem>>) target(%dma_start3A_130 : memref<10240x128xf32, #tpu.memory_space<vmem_shared>>) offsets(%dma_start3A_127 : memref<128xi32, #tpu.memory_space<vmem>>) semaphore(%run_scoped3A_122 : memref<!tpu.dma_semaphore, #tpu.memory_space<semaphore_mem>>) {add = true}
        %dma_wait3A = arith.constant 0 : i32
        %dma_wait3A_131 = arith.constant 0 : i32
        %dma_wait3A_132 = tpu.memref_slice %arg6[%dma_wait3A, %dma_wait3A_131] : memref<256x128xf32, #tpu.memory_space<vmem>> -> memref<128x128xf32, #tpu.memory_space<vmem>>
        %dma_wait3A_133 = arith.constant 0 : i32
        %dma_wait3A_134 = tpu.memref_slice %arg5[%run_scoped3A, %dma_wait3A_133] : memref<2x128xi32, #tpu.memory_space<vmem>> -> memref<1x128xi32, #tpu.memory_space<vmem>>
        %dma_wait3A_135 = tpu.memref_squeeze %dma_wait3A_134 : memref<1x128xi32, #tpu.memory_space<vmem>> -> memref<128xi32, #tpu.memory_space<vmem>>
        %dma_wait3A_136 = arith.constant 0 : i32
        %dma_wait3A_137 = arith.constant 0 : i32
        %dma_wait3A_138 = tpu.memref_slice %arg8[%dma_wait3A_136, %dma_wait3A_137] : memref<10240x128xf32, #tpu.memory_space<vmem_shared>> -> memref<10240x128xf32, #tpu.memory_space<vmem_shared>>
        tpu.wait_indirect_dma semaphore(%run_scoped3A_122 : memref<!tpu.dma_semaphore, #tpu.memory_space<semaphore_mem>>) src(%dma_wait3A_132 : memref<128x128xf32, #tpu.memory_space<vmem>>) dst(%dma_wait3A_138 : memref<10240x128xf32, #tpu.memory_space<vmem_shared>>)
        tpu.yield
      }) : () -> ()
      %run_scoped3A_121 = arith.constant 1 : i32
      "tpu.region"() ({
        %run_scoped3A_122 = tpu.sem_alloc : memref<!tpu.dma_semaphore, #tpu.memory_space<semaphore_mem>>
        %dma_start3A = arith.constant 128 : i32
        %dma_start3A_123 = arith.constant 0 : i32
        %dma_start3A_124 = tpu.memref_slice %arg6[%dma_start3A, %dma_start3A_123] : memref<256x128xf32, #tpu.memory_space<vmem>> -> memref<128x128xf32, #tpu.memory_space<vmem>>
        %dma_start3A_125 = arith.constant 0 : i32
        %dma_start3A_126 = tpu.memref_slice %arg5[%run_scoped3A_121, %dma_start3A_125] : memref<2x128xi32, #tpu.memory_space<vmem>> -> memref<1x128xi32, #tpu.memory_space<vmem>>
        %dma_start3A_127 = tpu.memref_squeeze %dma_start3A_126 : memref<1x128xi32, #tpu.memory_space<vmem>> -> memref<128xi32, #tpu.memory_space<vmem>>
        %dma_start3A_128 = arith.constant 0 : i32
        %dma_start3A_129 = arith.constant 0 : i32
        %dma_start3A_130 = tpu.memref_slice %arg8[%dma_start3A_128, %dma_start3A_129] : memref<10240x128xf32, #tpu.memory_space<vmem_shared>> -> memref<10240x128xf32, #tpu.memory_space<vmem_shared>>
        tpu.enqueue_indirect_dma source(%dma_start3A_124 : memref<128x128xf32, #tpu.memory_space<vmem>>) target(%dma_start3A_130 : memref<10240x128xf32, #tpu.memory_space<vmem_shared>>) offsets(%dma_start3A_127 : memref<128xi32, #tpu.memory_space<vmem>>) semaphore(%run_scoped3A_122 : memref<!tpu.dma_semaphore, #tpu.memory_space<semaphore_mem>>) {add = true}
        %dma_wait3A = arith.constant 128 : i32
        %dma_wait3A_131 = arith.constant 0 : i32
        %dma_wait3A_132 = tpu.memref_slice %arg6[%dma_wait3A, %dma_wait3A_131] : memref<256x128xf32, #tpu.memory_space<vmem>> -> memref<128x128xf32, #tpu.memory_space<vmem>>
        %dma_wait3A_133 = arith.constant 0 : i32
        %dma_wait3A_134 = tpu.memref_slice %arg5[%run_scoped3A_121, %dma_wait3A_133] : memref<2x128xi32, #tpu.memory_space<vmem>> -> memref<1x128xi32, #tpu.memory_space<vmem>>
        %dma_wait3A_135 = tpu.memref_squeeze %dma_wait3A_134 : memref<1x128xi32, #tpu.memory_space<vmem>> -> memref<128xi32, #tpu.memory_space<vmem>>
        %dma_wait3A_136 = arith.constant 0 : i32
        %dma_wait3A_137 = arith.constant 0 : i32
        %dma_wait3A_138 = tpu.memref_slice %arg8[%dma_wait3A_136, %dma_wait3A_137] : memref<10240x128xf32, #tpu.memory_space<vmem_shared>> -> memref<10240x128xf32, #tpu.memory_space<vmem_shared>>
        tpu.wait_indirect_dma semaphore(%run_scoped3A_122 : memref<!tpu.dma_semaphore, #tpu.memory_space<semaphore_mem>>) src(%dma_wait3A_132 : memref<128x128xf32, #tpu.memory_space<vmem>>) dst(%dma_wait3A_138 : memref<10240x128xf32, #tpu.memory_space<vmem_shared>>)
        tpu.yield
      }) : () -> ()
    }
    %scan3A_94 = arith.constant 40 : i32
    %barrier3A_95 = arith.constant 0 : index
    tpu.barrier barrier_id(%barrier3A_95)
    %mul3A_96 = arith.constant 640 : i32
    %mul3A_97 = arith.muli %arg1, %mul3A_96 : i32
    %mul3A_98 = arith.constant 640 : i32
    %mul3A_99 = arith.muli %arg1, %mul3A_98 : i32
    "tpu.region"() ({
      %run_scoped3A = tpu.sem_alloc : memref<!tpu.dma_semaphore, #tpu.memory_space<semaphore_mem>>
      %dma_start3A = arith.constant 0 : i32
      %dma_start3A_100 = tpu.memref_slice %arg4[%arg0, %mul3A_99, %dma_start3A] : memref<2x10240x128xf32, #tpu.memory_space<hbm>> -> memref<1x640x128xf32, #tpu.memory_space<hbm>>
      %dma_start3A_101 = tpu.memref_squeeze %dma_start3A_100 : memref<1x640x128xf32, #tpu.memory_space<hbm>> -> memref<640x128xf32, #tpu.memory_space<hbm>>
      %dma_start3A_102 = arith.constant 0 : i32
      %dma_start3A_103 = tpu.memref_slice %arg8[%mul3A_97, %dma_start3A_102] : memref<10240x128xf32, #tpu.memory_space<vmem_shared>> -> memref<640x128xf32, #tpu.memory_space<vmem_shared>>
      tpu.enqueue_dma source(%dma_start3A_103 : memref<640x128xf32, #tpu.memory_space<vmem_shared>>) target(%dma_start3A_101 : memref<640x128xf32, #tpu.memory_space<hbm>>) target_semaphore(%run_scoped3A : memref<!tpu.dma_semaphore, #tpu.memory_space<semaphore_mem>>)
      %dma_wait3A = arith.constant 0 : i32
      %dma_wait3A_104 = tpu.memref_slice %arg4[%arg0, %mul3A_99, %dma_wait3A] : memref<2x10240x128xf32, #tpu.memory_space<hbm>> -> memref<1x640x128xf32, #tpu.memory_space<hbm>>
      %dma_wait3A_105 = tpu.memref_squeeze %dma_wait3A_104 : memref<1x640x128xf32, #tpu.memory_space<hbm>> -> memref<640x128xf32, #tpu.memory_space<hbm>>
      %dma_wait3A_106 = arith.constant 0 : i32
      %dma_wait3A_107 = tpu.memref_slice %arg8[%mul3A_97, %dma_wait3A_106] : memref<10240x128xf32, #tpu.memory_space<vmem_shared>> -> memref<640x128xf32, #tpu.memory_space<vmem_shared>>
      tpu.wait_dma2 semaphore(%run_scoped3A : memref<!tpu.dma_semaphore, #tpu.memory_space<semaphore_mem>>) src(%dma_wait3A_107 : memref<640x128xf32, #tpu.memory_space<vmem_shared>>) dst(%dma_wait3A_105 : memref<640x128xf32, #tpu.memory_space<hbm>>)
      tpu.yield
    }) : () -> ()
    return
  }
}

#map = affine_map<(d0, d1) -> (0, 0)>
#map1 = affine_map<(d0, d1) -> (0)>
module attributes {stable_mosaic.version = 14 : i64} {
  func.func @_sca_body(%arg0: i32, %arg1: i32, %arg2: memref<10240x64xf32, #tpu.memory_space<hbm>>, %arg3: memref<10240x64xf32, #tpu.memory_space<hbm>>, %arg4: memref<40960xf32, #tpu.memory_space<hbm>>, %arg5: memref<2560x128xi32, #tpu.memory_space<hbm>>, %arg6: memref<2560x128xi32, #tpu.memory_space<hbm>>, %arg7: memref<327680x64xf32, #tpu.memory_space<hbm>>, %arg8: memref<2621440xf32, #tpu.memory_space<hbm>>, %arg9: memref<4x128xi32, #tpu.memory_space<vmem>>, %arg10: memref<4x128xi32, #tpu.memory_space<vmem>>, %arg11: memref<512x64xf32, #tpu.memory_space<vmem>>, %arg12: memref<4096xf32, #tpu.memory_space<vmem>>, %arg13: memref<40960xf32, #tpu.memory_space<vmem>>, %arg14: memref<!tpu.dma_semaphore, #tpu.memory_space<semaphore_mem>>) attributes {dimension_semantics = [#tpu.dimension_semantics<core_parallel>, #tpu.dimension_semantics<subcore_parallel>], iteration_bounds = array<i64: 2, 16>, scalar_prefetch = 0 : i64, scratch_operands = 6 : i64, tpu.core_type = #tpu.core_type<sc_vector_subcore>, window_params = [{transform_indices = #map}, {transform_indices = #map}, {transform_indices = #map1}, {transform_indices = #map}, {transform_indices = #map}, {transform_indices = #map}, {transform_indices = #map1}]} {
    %mul3A = arith.constant 2 : i32
    %mul3A_0 = arith.muli %arg1, %mul3A : i32
    %add3A = arith.addi %mul3A_0, %arg0 : i32
    %mul3A_1 = arith.constant 10240 : i32
    %mul3A_2 = arith.muli %add3A, %mul3A_1 : i32
    "tpu.region"() ({
      %run_scoped3A = tpu.sem_alloc : memref<!tpu.dma_semaphore, #tpu.memory_space<semaphore_mem>>
      tpu.enqueue_dma source(%arg4 : memref<40960xf32, #tpu.memory_space<hbm>>) target(%arg13 : memref<40960xf32, #tpu.memory_space<vmem>>) target_semaphore(%run_scoped3A : memref<!tpu.dma_semaphore, #tpu.memory_space<semaphore_mem>>)
      tpu.wait_dma2 semaphore(%run_scoped3A : memref<!tpu.dma_semaphore, #tpu.memory_space<semaphore_mem>>) src(%arg4 : memref<40960xf32, #tpu.memory_space<hbm>>) dst(%arg13 : memref<40960xf32, #tpu.memory_space<vmem>>)
      tpu.yield
    }) : () -> ()
    %iota3A = tpu.iota {dimensions = array<i32: 0>} : vector<16xi32>
    %scan3A = arith.constant 0 : i32
    %scan3A_3 = arith.constant 0 : i32
    %scan3A_4 = arith.constant 20 : i32
    %scan3A_5 = arith.addi %scan3A_3, %scan3A_4 : i32
    %scan3A_6 = arith.constant 1 : i32
    scf.for %scan3A_8 = %scan3A_3 to %scan3A_5 step %scan3A_6  : i32 {
      %mul3A_9 = arith.constant 512 : i32
      %mul3A_10 = arith.muli %scan3A_8, %mul3A_9 : i32
      %add3A_11 = arith.addi %mul3A_2, %mul3A_10 : i32
      %multiple_of3A = tpu.assume_multiple %add3A_11, 512 : i32
      %jit3A = arith.constant 128 : i32
      %div3A = arith.divsi %mul3A_2, %jit3A : i32
      %sign3A = arith.constant 0 : i32
      %sign3A_12 = arith.cmpi sgt, %mul3A_2, %sign3A : i32
      %sign3A_13 = arith.extui %sign3A_12 : i1 to i32
      %sign3A_14 = arith.constant 0 : i32
      %sign3A_15 = arith.cmpi slt, %mul3A_2, %sign3A_14 : i32
      %sign3A_16 = arith.extui %sign3A_15 : i1 to i32
      %sign3A_17 = arith.subi %sign3A_13, %sign3A_16 : i32
      %sign3A_18 = arith.constant 0 : i32
      %sign3A_19 = arith.cmpi sgt, %jit3A, %sign3A_18 : i32
      %sign3A_20 = arith.extui %sign3A_19 : i1 to i32
      %sign3A_21 = arith.constant 0 : i32
      %sign3A_22 = arith.cmpi slt, %jit3A, %sign3A_21 : i32
      %sign3A_23 = arith.extui %sign3A_22 : i1 to i32
      %sign3A_24 = arith.subi %sign3A_20, %sign3A_23 : i32
      %ne3A = arith.cmpi ne, %sign3A_17, %sign3A_24 : i32
      %rem3A = arith.remsi %mul3A_2, %jit3A : i32
      %ne3A_25 = arith.constant 0 : i32
      %ne3A_26 = arith.cmpi ne, %rem3A, %ne3A_25 : i32
      %and3A = arith.andi %ne3A, %ne3A_26 : i1
      %sub3A = arith.constant 1 : i32
      %sub3A_27 = arith.subi %div3A, %sub3A : i32
      %select_n3A = arith.select %and3A, %sub3A_27, %div3A : i32
      %mul3A_28 = arith.constant 4 : i32
      %mul3A_29 = arith.muli %scan3A_8, %mul3A_28 : i32
      %add3A_30 = arith.addi %select_n3A, %mul3A_29 : i32
      %multiple_of3A_31 = tpu.assume_multiple %add3A_30, 4 : i32
      "tpu.region"() ({
        %run_scoped3A = tpu.sem_alloc : memref<!tpu.dma_semaphore, #tpu.memory_space<semaphore_mem>>
        %dma_start3A_216 = arith.constant 0 : i32
        %dma_start3A_217 = tpu.memref_slice %arg5[%multiple_of3A_31, %dma_start3A_216] : memref<2560x128xi32, #tpu.memory_space<hbm>> -> memref<4x128xi32, #tpu.memory_space<hbm>>
        %dma_start3A_218 = arith.constant 0 : i32
        %dma_start3A_219 = tpu.memref_slice %arg5[%multiple_of3A_31, %dma_start3A_218] : memref<2560x128xi32, #tpu.memory_space<hbm>> -> memref<4x128xi32, #tpu.memory_space<hbm>>
        tpu.enqueue_dma source(%dma_start3A_219 : memref<4x128xi32, #tpu.memory_space<hbm>>) target(%arg9 : memref<4x128xi32, #tpu.memory_space<vmem>>) target_semaphore(%run_scoped3A : memref<!tpu.dma_semaphore, #tpu.memory_space<semaphore_mem>>)
        %dma_wait3A_220 = arith.constant 0 : i32
        %dma_wait3A_221 = tpu.memref_slice %arg5[%multiple_of3A_31, %dma_wait3A_220] : memref<2560x128xi32, #tpu.memory_space<hbm>> -> memref<4x128xi32, #tpu.memory_space<hbm>>
        %dma_wait3A_222 = arith.constant 0 : i32
        %dma_wait3A_223 = tpu.memref_slice %arg5[%multiple_of3A_31, %dma_wait3A_222] : memref<2560x128xi32, #tpu.memory_space<hbm>> -> memref<4x128xi32, #tpu.memory_space<hbm>>
        tpu.wait_dma2 semaphore(%run_scoped3A : memref<!tpu.dma_semaphore, #tpu.memory_space<semaphore_mem>>) src(%dma_wait3A_223 : memref<4x128xi32, #tpu.memory_space<hbm>>) dst(%arg9 : memref<4x128xi32, #tpu.memory_space<vmem>>)
        tpu.yield
      }) : () -> ()
      "tpu.region"() ({
        %run_scoped3A = tpu.sem_alloc : memref<!tpu.dma_semaphore, #tpu.memory_space<semaphore_mem>>
        %dma_start3A_216 = arith.constant 0 : i32
        %dma_start3A_217 = tpu.memref_slice %arg6[%multiple_of3A_31, %dma_start3A_216] : memref<2560x128xi32, #tpu.memory_space<hbm>> -> memref<4x128xi32, #tpu.memory_space<hbm>>
        %dma_start3A_218 = arith.constant 0 : i32
        %dma_start3A_219 = tpu.memref_slice %arg6[%multiple_of3A_31, %dma_start3A_218] : memref<2560x128xi32, #tpu.memory_space<hbm>> -> memref<4x128xi32, #tpu.memory_space<hbm>>
        tpu.enqueue_dma source(%dma_start3A_219 : memref<4x128xi32, #tpu.memory_space<hbm>>) target(%arg10 : memref<4x128xi32, #tpu.memory_space<vmem>>) target_semaphore(%run_scoped3A : memref<!tpu.dma_semaphore, #tpu.memory_space<semaphore_mem>>)
        %dma_wait3A_220 = arith.constant 0 : i32
        %dma_wait3A_221 = tpu.memref_slice %arg6[%multiple_of3A_31, %dma_wait3A_220] : memref<2560x128xi32, #tpu.memory_space<hbm>> -> memref<4x128xi32, #tpu.memory_space<hbm>>
        %dma_wait3A_222 = arith.constant 0 : i32
        %dma_wait3A_223 = tpu.memref_slice %arg6[%multiple_of3A_31, %dma_wait3A_222] : memref<2560x128xi32, #tpu.memory_space<hbm>> -> memref<4x128xi32, #tpu.memory_space<hbm>>
        tpu.wait_dma2 semaphore(%run_scoped3A : memref<!tpu.dma_semaphore, #tpu.memory_space<semaphore_mem>>) src(%dma_wait3A_223 : memref<4x128xi32, #tpu.memory_space<hbm>>) dst(%arg10 : memref<4x128xi32, #tpu.memory_space<vmem>>)
        tpu.yield
      }) : () -> ()
      %dma_start3A = arith.constant 0 : i32
      %dma_start3A_32 = arith.constant 0 : i32
      %dma_start3A_33 = arith.constant 0 : i32
      %dma_start3A_34 = tpu.memref_slice %arg11[%dma_start3A_32, %dma_start3A_33] : memref<512x64xf32, #tpu.memory_space<vmem>> -> memref<128x64xf32, #tpu.memory_space<vmem>>
      %dma_start3A_35 = arith.constant 0 : i32
      %dma_start3A_36 = tpu.memref_slice %arg9[%dma_start3A, %dma_start3A_35] : memref<4x128xi32, #tpu.memory_space<vmem>> -> memref<1x128xi32, #tpu.memory_space<vmem>>
      %dma_start3A_37 = tpu.memref_squeeze %dma_start3A_36 : memref<1x128xi32, #tpu.memory_space<vmem>> -> memref<128xi32, #tpu.memory_space<vmem>>
      %dma_start3A_38 = arith.constant 0 : i32
      %dma_start3A_39 = arith.constant 0 : i32
      %dma_start3A_40 = tpu.memref_slice %arg2[%dma_start3A_38, %dma_start3A_39] : memref<10240x64xf32, #tpu.memory_space<hbm>> -> memref<10240x64xf32, #tpu.memory_space<hbm>>
      tpu.enqueue_indirect_dma source(%dma_start3A_40 : memref<10240x64xf32, #tpu.memory_space<hbm>>) target(%dma_start3A_34 : memref<128x64xf32, #tpu.memory_space<vmem>>) offsets(%dma_start3A_37 : memref<128xi32, #tpu.memory_space<vmem>>) semaphore(%arg14 : memref<!tpu.dma_semaphore, #tpu.memory_space<semaphore_mem>>)
      %dma_start3A_41 = arith.constant 1 : i32
      %dma_start3A_42 = arith.constant 128 : i32
      %dma_start3A_43 = arith.constant 0 : i32
      %dma_start3A_44 = tpu.memref_slice %arg11[%dma_start3A_42, %dma_start3A_43] : memref<512x64xf32, #tpu.memory_space<vmem>> -> memref<128x64xf32, #tpu.memory_space<vmem>>
      %dma_start3A_45 = arith.constant 0 : i32
      %dma_start3A_46 = tpu.memref_slice %arg9[%dma_start3A_41, %dma_start3A_45] : memref<4x128xi32, #tpu.memory_space<vmem>> -> memref<1x128xi32, #tpu.memory_space<vmem>>
      %dma_start3A_47 = tpu.memref_squeeze %dma_start3A_46 : memref<1x128xi32, #tpu.memory_space<vmem>> -> memref<128xi32, #tpu.memory_space<vmem>>
      %dma_start3A_48 = arith.constant 0 : i32
      %dma_start3A_49 = arith.constant 0 : i32
      %dma_start3A_50 = tpu.memref_slice %arg2[%dma_start3A_48, %dma_start3A_49] : memref<10240x64xf32, #tpu.memory_space<hbm>> -> memref<10240x64xf32, #tpu.memory_space<hbm>>
      tpu.enqueue_indirect_dma source(%dma_start3A_50 : memref<10240x64xf32, #tpu.memory_space<hbm>>) target(%dma_start3A_44 : memref<128x64xf32, #tpu.memory_space<vmem>>) offsets(%dma_start3A_47 : memref<128xi32, #tpu.memory_space<vmem>>) semaphore(%arg14 : memref<!tpu.dma_semaphore, #tpu.memory_space<semaphore_mem>>)
      %dma_start3A_51 = arith.constant 2 : i32
      %dma_start3A_52 = arith.constant 256 : i32
      %dma_start3A_53 = arith.constant 0 : i32
      %dma_start3A_54 = tpu.memref_slice %arg11[%dma_start3A_52, %dma_start3A_53] : memref<512x64xf32, #tpu.memory_space<vmem>> -> memref<128x64xf32, #tpu.memory_space<vmem>>
      %dma_start3A_55 = arith.constant 0 : i32
      %dma_start3A_56 = tpu.memref_slice %arg9[%dma_start3A_51, %dma_start3A_55] : memref<4x128xi32, #tpu.memory_space<vmem>> -> memref<1x128xi32, #tpu.memory_space<vmem>>
      %dma_start3A_57 = tpu.memref_squeeze %dma_start3A_56 : memref<1x128xi32, #tpu.memory_space<vmem>> -> memref<128xi32, #tpu.memory_space<vmem>>
      %dma_start3A_58 = arith.constant 0 : i32
      %dma_start3A_59 = arith.constant 0 : i32
      %dma_start3A_60 = tpu.memref_slice %arg2[%dma_start3A_58, %dma_start3A_59] : memref<10240x64xf32, #tpu.memory_space<hbm>> -> memref<10240x64xf32, #tpu.memory_space<hbm>>
      tpu.enqueue_indirect_dma source(%dma_start3A_60 : memref<10240x64xf32, #tpu.memory_space<hbm>>) target(%dma_start3A_54 : memref<128x64xf32, #tpu.memory_space<vmem>>) offsets(%dma_start3A_57 : memref<128xi32, #tpu.memory_space<vmem>>) semaphore(%arg14 : memref<!tpu.dma_semaphore, #tpu.memory_space<semaphore_mem>>)
      %dma_start3A_61 = arith.constant 3 : i32
      %dma_start3A_62 = arith.constant 384 : i32
      %dma_start3A_63 = arith.constant 0 : i32
      %dma_start3A_64 = tpu.memref_slice %arg11[%dma_start3A_62, %dma_start3A_63] : memref<512x64xf32, #tpu.memory_space<vmem>> -> memref<128x64xf32, #tpu.memory_space<vmem>>
      %dma_start3A_65 = arith.constant 0 : i32
      %dma_start3A_66 = tpu.memref_slice %arg9[%dma_start3A_61, %dma_start3A_65] : memref<4x128xi32, #tpu.memory_space<vmem>> -> memref<1x128xi32, #tpu.memory_space<vmem>>
      %dma_start3A_67 = tpu.memref_squeeze %dma_start3A_66 : memref<1x128xi32, #tpu.memory_space<vmem>> -> memref<128xi32, #tpu.memory_space<vmem>>
      %dma_start3A_68 = arith.constant 0 : i32
      %dma_start3A_69 = arith.constant 0 : i32
      %dma_start3A_70 = tpu.memref_slice %arg2[%dma_start3A_68, %dma_start3A_69] : memref<10240x64xf32, #tpu.memory_space<hbm>> -> memref<10240x64xf32, #tpu.memory_space<hbm>>
      tpu.enqueue_indirect_dma source(%dma_start3A_70 : memref<10240x64xf32, #tpu.memory_space<hbm>>) target(%dma_start3A_64 : memref<128x64xf32, #tpu.memory_space<vmem>>) offsets(%dma_start3A_67 : memref<128xi32, #tpu.memory_space<vmem>>) semaphore(%arg14 : memref<!tpu.dma_semaphore, #tpu.memory_space<semaphore_mem>>)
      %dma_wait3A = arith.constant 0 : i32
      %dma_wait3A_71 = arith.constant 0 : i32
      %dma_wait3A_72 = arith.constant 0 : i32
      %dma_wait3A_73 = tpu.memref_slice %arg11[%dma_wait3A_71, %dma_wait3A_72] : memref<512x64xf32, #tpu.memory_space<vmem>> -> memref<128x64xf32, #tpu.memory_space<vmem>>
      %dma_wait3A_74 = arith.constant 0 : i32
      %dma_wait3A_75 = tpu.memref_slice %arg9[%dma_wait3A, %dma_wait3A_74] : memref<4x128xi32, #tpu.memory_space<vmem>> -> memref<1x128xi32, #tpu.memory_space<vmem>>
      %dma_wait3A_76 = tpu.memref_squeeze %dma_wait3A_75 : memref<1x128xi32, #tpu.memory_space<vmem>> -> memref<128xi32, #tpu.memory_space<vmem>>
      %dma_wait3A_77 = arith.constant 0 : i32
      %dma_wait3A_78 = arith.constant 0 : i32
      %dma_wait3A_79 = tpu.memref_slice %arg2[%dma_wait3A_77, %dma_wait3A_78] : memref<10240x64xf32, #tpu.memory_space<hbm>> -> memref<10240x64xf32, #tpu.memory_space<hbm>>
      tpu.wait_indirect_dma semaphore(%arg14 : memref<!tpu.dma_semaphore, #tpu.memory_space<semaphore_mem>>) src(%dma_wait3A_79 : memref<10240x64xf32, #tpu.memory_space<hbm>>) dst(%dma_wait3A_73 : memref<128x64xf32, #tpu.memory_space<vmem>>)
      %dma_wait3A_80 = arith.constant 1 : i32
      %dma_wait3A_81 = arith.constant 128 : i32
      %dma_wait3A_82 = arith.constant 0 : i32
      %dma_wait3A_83 = tpu.memref_slice %arg11[%dma_wait3A_81, %dma_wait3A_82] : memref<512x64xf32, #tpu.memory_space<vmem>> -> memref<128x64xf32, #tpu.memory_space<vmem>>
      %dma_wait3A_84 = arith.constant 0 : i32
      %dma_wait3A_85 = tpu.memref_slice %arg9[%dma_wait3A_80, %dma_wait3A_84] : memref<4x128xi32, #tpu.memory_space<vmem>> -> memref<1x128xi32, #tpu.memory_space<vmem>>
      %dma_wait3A_86 = tpu.memref_squeeze %dma_wait3A_85 : memref<1x128xi32, #tpu.memory_space<vmem>> -> memref<128xi32, #tpu.memory_space<vmem>>
      %dma_wait3A_87 = arith.constant 0 : i32
      %dma_wait3A_88 = arith.constant 0 : i32
      %dma_wait3A_89 = tpu.memref_slice %arg2[%dma_wait3A_87, %dma_wait3A_88] : memref<10240x64xf32, #tpu.memory_space<hbm>> -> memref<10240x64xf32, #tpu.memory_space<hbm>>
      tpu.wait_indirect_dma semaphore(%arg14 : memref<!tpu.dma_semaphore, #tpu.memory_space<semaphore_mem>>) src(%dma_wait3A_89 : memref<10240x64xf32, #tpu.memory_space<hbm>>) dst(%dma_wait3A_83 : memref<128x64xf32, #tpu.memory_space<vmem>>)
      %dma_wait3A_90 = arith.constant 2 : i32
      %dma_wait3A_91 = arith.constant 256 : i32
      %dma_wait3A_92 = arith.constant 0 : i32
      %dma_wait3A_93 = tpu.memref_slice %arg11[%dma_wait3A_91, %dma_wait3A_92] : memref<512x64xf32, #tpu.memory_space<vmem>> -> memref<128x64xf32, #tpu.memory_space<vmem>>
      %dma_wait3A_94 = arith.constant 0 : i32
      %dma_wait3A_95 = tpu.memref_slice %arg9[%dma_wait3A_90, %dma_wait3A_94] : memref<4x128xi32, #tpu.memory_space<vmem>> -> memref<1x128xi32, #tpu.memory_space<vmem>>
      %dma_wait3A_96 = tpu.memref_squeeze %dma_wait3A_95 : memref<1x128xi32, #tpu.memory_space<vmem>> -> memref<128xi32, #tpu.memory_space<vmem>>
      %dma_wait3A_97 = arith.constant 0 : i32
      %dma_wait3A_98 = arith.constant 0 : i32
      %dma_wait3A_99 = tpu.memref_slice %arg2[%dma_wait3A_97, %dma_wait3A_98] : memref<10240x64xf32, #tpu.memory_space<hbm>> -> memref<10240x64xf32, #tpu.memory_space<hbm>>
      tpu.wait_indirect_dma semaphore(%arg14 : memref<!tpu.dma_semaphore, #tpu.memory_space<semaphore_mem>>) src(%dma_wait3A_99 : memref<10240x64xf32, #tpu.memory_space<hbm>>) dst(%dma_wait3A_93 : memref<128x64xf32, #tpu.memory_space<vmem>>)
      %dma_wait3A_100 = arith.constant 3 : i32
      %dma_wait3A_101 = arith.constant 384 : i32
      %dma_wait3A_102 = arith.constant 0 : i32
      %dma_wait3A_103 = tpu.memref_slice %arg11[%dma_wait3A_101, %dma_wait3A_102] : memref<512x64xf32, #tpu.memory_space<vmem>> -> memref<128x64xf32, #tpu.memory_space<vmem>>
      %dma_wait3A_104 = arith.constant 0 : i32
      %dma_wait3A_105 = tpu.memref_slice %arg9[%dma_wait3A_100, %dma_wait3A_104] : memref<4x128xi32, #tpu.memory_space<vmem>> -> memref<1x128xi32, #tpu.memory_space<vmem>>
      %dma_wait3A_106 = tpu.memref_squeeze %dma_wait3A_105 : memref<1x128xi32, #tpu.memory_space<vmem>> -> memref<128xi32, #tpu.memory_space<vmem>>
      %dma_wait3A_107 = arith.constant 0 : i32
      %dma_wait3A_108 = arith.constant 0 : i32
      %dma_wait3A_109 = tpu.memref_slice %arg2[%dma_wait3A_107, %dma_wait3A_108] : memref<10240x64xf32, #tpu.memory_space<hbm>> -> memref<10240x64xf32, #tpu.memory_space<hbm>>
      tpu.wait_indirect_dma semaphore(%arg14 : memref<!tpu.dma_semaphore, #tpu.memory_space<semaphore_mem>>) src(%dma_wait3A_109 : memref<10240x64xf32, #tpu.memory_space<hbm>>) dst(%dma_wait3A_103 : memref<128x64xf32, #tpu.memory_space<vmem>>)
      %dma_start3A_110 = arith.constant 0 : i32
      %dma_start3A_111 = arith.constant 0 : i32
      %dma_start3A_112 = arith.constant 0 : i32
      %dma_start3A_113 = tpu.memref_slice %arg11[%dma_start3A_111, %dma_start3A_112] : memref<512x64xf32, #tpu.memory_space<vmem>> -> memref<128x64xf32, #tpu.memory_space<vmem>>
      %dma_start3A_114 = arith.constant 0 : i32
      %dma_start3A_115 = tpu.memref_slice %arg10[%dma_start3A_110, %dma_start3A_114] : memref<4x128xi32, #tpu.memory_space<vmem>> -> memref<1x128xi32, #tpu.memory_space<vmem>>
      %dma_start3A_116 = tpu.memref_squeeze %dma_start3A_115 : memref<1x128xi32, #tpu.memory_space<vmem>> -> memref<128xi32, #tpu.memory_space<vmem>>
      %dma_start3A_117 = arith.constant 0 : i32
      %dma_start3A_118 = arith.constant 0 : i32
      %dma_start3A_119 = tpu.memref_slice %arg3[%dma_start3A_117, %dma_start3A_118] : memref<10240x64xf32, #tpu.memory_space<hbm>> -> memref<10240x64xf32, #tpu.memory_space<hbm>>
      tpu.enqueue_indirect_dma source(%dma_start3A_119 : memref<10240x64xf32, #tpu.memory_space<hbm>>) target(%dma_start3A_113 : memref<128x64xf32, #tpu.memory_space<vmem>>) offsets(%dma_start3A_116 : memref<128xi32, #tpu.memory_space<vmem>>) semaphore(%arg14 : memref<!tpu.dma_semaphore, #tpu.memory_space<semaphore_mem>>) {add = true}
      %dma_start3A_120 = arith.constant 1 : i32
      %dma_start3A_121 = arith.constant 128 : i32
      %dma_start3A_122 = arith.constant 0 : i32
      %dma_start3A_123 = tpu.memref_slice %arg11[%dma_start3A_121, %dma_start3A_122] : memref<512x64xf32, #tpu.memory_space<vmem>> -> memref<128x64xf32, #tpu.memory_space<vmem>>
      %dma_start3A_124 = arith.constant 0 : i32
      %dma_start3A_125 = tpu.memref_slice %arg10[%dma_start3A_120, %dma_start3A_124] : memref<4x128xi32, #tpu.memory_space<vmem>> -> memref<1x128xi32, #tpu.memory_space<vmem>>
      %dma_start3A_126 = tpu.memref_squeeze %dma_start3A_125 : memref<1x128xi32, #tpu.memory_space<vmem>> -> memref<128xi32, #tpu.memory_space<vmem>>
      %dma_start3A_127 = arith.constant 0 : i32
      %dma_start3A_128 = arith.constant 0 : i32
      %dma_start3A_129 = tpu.memref_slice %arg3[%dma_start3A_127, %dma_start3A_128] : memref<10240x64xf32, #tpu.memory_space<hbm>> -> memref<10240x64xf32, #tpu.memory_space<hbm>>
      tpu.enqueue_indirect_dma source(%dma_start3A_129 : memref<10240x64xf32, #tpu.memory_space<hbm>>) target(%dma_start3A_123 : memref<128x64xf32, #tpu.memory_space<vmem>>) offsets(%dma_start3A_126 : memref<128xi32, #tpu.memory_space<vmem>>) semaphore(%arg14 : memref<!tpu.dma_semaphore, #tpu.memory_space<semaphore_mem>>) {add = true}
      %dma_start3A_130 = arith.constant 2 : i32
      %dma_start3A_131 = arith.constant 256 : i32
      %dma_start3A_132 = arith.constant 0 : i32
      %dma_start3A_133 = tpu.memref_slice %arg11[%dma_start3A_131, %dma_start3A_132] : memref<512x64xf32, #tpu.memory_space<vmem>> -> memref<128x64xf32, #tpu.memory_space<vmem>>
      %dma_start3A_134 = arith.constant 0 : i32
      %dma_start3A_135 = tpu.memref_slice %arg10[%dma_start3A_130, %dma_start3A_134] : memref<4x128xi32, #tpu.memory_space<vmem>> -> memref<1x128xi32, #tpu.memory_space<vmem>>
      %dma_start3A_136 = tpu.memref_squeeze %dma_start3A_135 : memref<1x128xi32, #tpu.memory_space<vmem>> -> memref<128xi32, #tpu.memory_space<vmem>>
      %dma_start3A_137 = arith.constant 0 : i32
      %dma_start3A_138 = arith.constant 0 : i32
      %dma_start3A_139 = tpu.memref_slice %arg3[%dma_start3A_137, %dma_start3A_138] : memref<10240x64xf32, #tpu.memory_space<hbm>> -> memref<10240x64xf32, #tpu.memory_space<hbm>>
      tpu.enqueue_indirect_dma source(%dma_start3A_139 : memref<10240x64xf32, #tpu.memory_space<hbm>>) target(%dma_start3A_133 : memref<128x64xf32, #tpu.memory_space<vmem>>) offsets(%dma_start3A_136 : memref<128xi32, #tpu.memory_space<vmem>>) semaphore(%arg14 : memref<!tpu.dma_semaphore, #tpu.memory_space<semaphore_mem>>) {add = true}
      %dma_start3A_140 = arith.constant 3 : i32
      %dma_start3A_141 = arith.constant 384 : i32
      %dma_start3A_142 = arith.constant 0 : i32
      %dma_start3A_143 = tpu.memref_slice %arg11[%dma_start3A_141, %dma_start3A_142] : memref<512x64xf32, #tpu.memory_space<vmem>> -> memref<128x64xf32, #tpu.memory_space<vmem>>
      %dma_start3A_144 = arith.constant 0 : i32
      %dma_start3A_145 = tpu.memref_slice %arg10[%dma_start3A_140, %dma_start3A_144] : memref<4x128xi32, #tpu.memory_space<vmem>> -> memref<1x128xi32, #tpu.memory_space<vmem>>
      %dma_start3A_146 = tpu.memref_squeeze %dma_start3A_145 : memref<1x128xi32, #tpu.memory_space<vmem>> -> memref<128xi32, #tpu.memory_space<vmem>>
      %dma_start3A_147 = arith.constant 0 : i32
      %dma_start3A_148 = arith.constant 0 : i32
      %dma_start3A_149 = tpu.memref_slice %arg3[%dma_start3A_147, %dma_start3A_148] : memref<10240x64xf32, #tpu.memory_space<hbm>> -> memref<10240x64xf32, #tpu.memory_space<hbm>>
      tpu.enqueue_indirect_dma source(%dma_start3A_149 : memref<10240x64xf32, #tpu.memory_space<hbm>>) target(%dma_start3A_143 : memref<128x64xf32, #tpu.memory_space<vmem>>) offsets(%dma_start3A_146 : memref<128xi32, #tpu.memory_space<vmem>>) semaphore(%arg14 : memref<!tpu.dma_semaphore, #tpu.memory_space<semaphore_mem>>) {add = true}
      %scan3A_150 = arith.constant 0 : i32
      %scan3A_151 = arith.constant 0 : i32
      %scan3A_152 = arith.constant 4 : i32
      %scan3A_153 = arith.addi %scan3A_151, %scan3A_152 : i32
      %scan3A_154 = arith.constant 1 : i32
      scf.for %scan3A_216 = %scan3A_151 to %scan3A_153 step %scan3A_154  : i32 {
        %mul3A_217 = arith.constant 16 : i32
        %mul3A_218 = arith.muli %scan3A_216, %mul3A_217 : i32
        %get3A = arith.constant 0 : i32
        %get3A_219 = arith.index_cast %get3A : i32 to index
        %get3A_220 = arith.index_cast %mul3A_218 : i32 to index
        %get3A_221 = tpu.vector_load %arg9[%get3A_219, %get3A_220] {strides = array<i32>} : memref<4x128xi32, #tpu.memory_space<vmem>>, vector<16xi32>,
        %mul3A_222 = arith.constant 16 : i32
        %mul3A_223 = arith.muli %scan3A_216, %mul3A_222 : i32
        %get3A_224 = arith.constant 0 : i32
        %get3A_225 = arith.index_cast %get3A_224 : i32 to index
        %get3A_226 = arith.index_cast %mul3A_223 : i32 to index
        %get3A_227 = tpu.vector_load %arg10[%get3A_225, %get3A_226] {strides = array<i32>} : memref<4x128xi32, #tpu.memory_space<vmem>>, vector<16xi32>,
        %mul3A_228 = arith.constant 4 : i32
        %mul3A_229 = vector.broadcast %mul3A_228 : i32 to vector<16xi32>
        %mul3A_230 = arith.muli %get3A_221, %mul3A_229 : vector<16xi32>
        %mul3A_231 = arith.constant 4 : i32
        %mul3A_232 = vector.broadcast %mul3A_231 : i32 to vector<16xi32>
        %mul3A_233 = arith.muli %get3A_227, %mul3A_232 : vector<16xi32>
        %gather3A = tpu.vector_load_idx %arg13[%mul3A_230] : memref<40960xf32, #tpu.memory_space<vmem>>[vector<16xi32>], vector<16xf32>,
        %add3A_234 = arith.constant 1 : i32
        %add3A_235 = vector.broadcast %add3A_234 : i32 to vector<16xi32>
        %add3A_236 = arith.addi %mul3A_230, %add3A_235 : vector<16xi32>
        %gather3A_237 = tpu.vector_load_idx %arg13[%add3A_236] : memref<40960xf32, #tpu.memory_space<vmem>>[vector<16xi32>], vector<16xf32>,
        %add3A_238 = arith.constant 2 : i32
        %add3A_239 = vector.broadcast %add3A_238 : i32 to vector<16xi32>
        %add3A_240 = arith.addi %mul3A_230, %add3A_239 : vector<16xi32>
        %gather3A_241 = tpu.vector_load_idx %arg13[%add3A_240] : memref<40960xf32, #tpu.memory_space<vmem>>[vector<16xi32>], vector<16xf32>,
        %gather3A_242 = tpu.vector_load_idx %arg13[%mul3A_233] : memref<40960xf32, #tpu.memory_space<vmem>>[vector<16xi32>], vector<16xf32>,
        %add3A_243 = arith.constant 1 : i32
        %add3A_244 = vector.broadcast %add3A_243 : i32 to vector<16xi32>
        %add3A_245 = arith.addi %mul3A_233, %add3A_244 : vector<16xi32>
        %gather3A_246 = tpu.vector_load_idx %arg13[%add3A_245] : memref<40960xf32, #tpu.memory_space<vmem>>[vector<16xi32>], vector<16xf32>,
        %add3A_247 = arith.constant 2 : i32
        %add3A_248 = vector.broadcast %add3A_247 : i32 to vector<16xi32>
        %add3A_249 = arith.addi %mul3A_233, %add3A_248 : vector<16xi32>
        %gather3A_250 = tpu.vector_load_idx %arg13[%add3A_249] : memref<40960xf32, #tpu.memory_space<vmem>>[vector<16xi32>], vector<16xf32>,
        %sub3A_251 = arith.subf %gather3A, %gather3A_242 : vector<16xf32>
        %sub3A_252 = arith.subf %gather3A_237, %gather3A_246 : vector<16xf32>
        %sub3A_253 = arith.subf %gather3A_241, %gather3A_250 : vector<16xf32>
        %mul3A_254 = arith.mulf %sub3A_251, %sub3A_251 : vector<16xf32>
        %mul3A_255 = arith.mulf %sub3A_252, %sub3A_252 : vector<16xf32>
        %add3A_256 = arith.addf %mul3A_254, %mul3A_255 : vector<16xf32>
        %mul3A_257 = arith.mulf %sub3A_253, %sub3A_253 : vector<16xf32>
        %add3A_258 = arith.addf %add3A_256, %mul3A_257 : vector<16xf32>
        %mul3A_259 = arith.constant 16 : i32
        %mul3A_260 = arith.muli %scan3A_216, %mul3A_259 : i32
        %add3A_261 = arith.constant 0 : i32
        %add3A_262 = arith.addi %add3A_261, %mul3A_260 : i32
        %add3A_263 = vector.broadcast %add3A_262 : i32 to vector<16xi32>
        %add3A_264 = arith.addi %iota3A, %add3A_263 : vector<16xi32>
        %mul3A_265 = arith.constant 8 : i32
        %mul3A_266 = vector.broadcast %mul3A_265 : i32 to vector<16xi32>
        %mul3A_267 = arith.muli %add3A_264, %mul3A_266 : vector<16xi32>
        tpu.vector_store_idx %arg12[%mul3A_267], %sub3A_251 : memref<4096xf32, #tpu.memory_space<vmem>>[vector<16xi32>], vector<16xf32>,
        %add3A_268 = arith.constant 1 : i32
        %add3A_269 = vector.broadcast %add3A_268 : i32 to vector<16xi32>
        %add3A_270 = arith.addi %mul3A_267, %add3A_269 : vector<16xi32>
        tpu.vector_store_idx %arg12[%add3A_270], %sub3A_252 : memref<4096xf32, #tpu.memory_space<vmem>>[vector<16xi32>], vector<16xf32>,
        %add3A_271 = arith.constant 2 : i32
        %add3A_272 = vector.broadcast %add3A_271 : i32 to vector<16xi32>
        %add3A_273 = arith.addi %mul3A_267, %add3A_272 : vector<16xi32>
        tpu.vector_store_idx %arg12[%add3A_273], %sub3A_253 : memref<4096xf32, #tpu.memory_space<vmem>>[vector<16xi32>], vector<16xf32>,
        %add3A_274 = arith.constant 3 : i32
        %add3A_275 = vector.broadcast %add3A_274 : i32 to vector<16xi32>
        %add3A_276 = arith.addi %mul3A_267, %add3A_275 : vector<16xi32>
        tpu.vector_store_idx %arg12[%add3A_276], %add3A_258 : memref<4096xf32, #tpu.memory_space<vmem>>[vector<16xi32>], vector<16xf32>,
      }
      %scan3A_155 = arith.constant 4 : i32
      %scan3A_156 = arith.constant 0 : i32
      %scan3A_157 = arith.constant 0 : i32
      %scan3A_158 = arith.constant 4 : i32
      %scan3A_159 = arith.addi %scan3A_157, %scan3A_158 : i32
      %scan3A_160 = arith.constant 1 : i32
      scf.for %scan3A_216 = %scan3A_157 to %scan3A_159 step %scan3A_160  : i32 {
        %mul3A_217 = arith.constant 16 : i32
        %mul3A_218 = arith.muli %scan3A_216, %mul3A_217 : i32
        %get3A = arith.constant 1 : i32
        %get3A_219 = arith.index_cast %get3A : i32 to index
        %get3A_220 = arith.index_cast %mul3A_218 : i32 to index
        %get3A_221 = tpu.vector_load %arg9[%get3A_219, %get3A_220] {strides = array<i32>} : memref<4x128xi32, #tpu.memory_space<vmem>>, vector<16xi32>,
        %mul3A_222 = arith.constant 16 : i32
        %mul3A_223 = arith.muli %scan3A_216, %mul3A_222 : i32
        %get3A_224 = arith.constant 1 : i32
        %get3A_225 = arith.index_cast %get3A_224 : i32 to index
        %get3A_226 = arith.index_cast %mul3A_223 : i32 to index
        %get3A_227 = tpu.vector_load %arg10[%get3A_225, %get3A_226] {strides = array<i32>} : memref<4x128xi32, #tpu.memory_space<vmem>>, vector<16xi32>,
        %mul3A_228 = arith.constant 4 : i32
        %mul3A_229 = vector.broadcast %mul3A_228 : i32 to vector<16xi32>
        %mul3A_230 = arith.muli %get3A_221, %mul3A_229 : vector<16xi32>
        %mul3A_231 = arith.constant 4 : i32
        %mul3A_232 = vector.broadcast %mul3A_231 : i32 to vector<16xi32>
        %mul3A_233 = arith.muli %get3A_227, %mul3A_232 : vector<16xi32>
        %gather3A = tpu.vector_load_idx %arg13[%mul3A_230] : memref<40960xf32, #tpu.memory_space<vmem>>[vector<16xi32>], vector<16xf32>,
        %add3A_234 = arith.constant 1 : i32
        %add3A_235 = vector.broadcast %add3A_234 : i32 to vector<16xi32>
        %add3A_236 = arith.addi %mul3A_230, %add3A_235 : vector<16xi32>
        %gather3A_237 = tpu.vector_load_idx %arg13[%add3A_236] : memref<40960xf32, #tpu.memory_space<vmem>>[vector<16xi32>], vector<16xf32>,
        %add3A_238 = arith.constant 2 : i32
        %add3A_239 = vector.broadcast %add3A_238 : i32 to vector<16xi32>
        %add3A_240 = arith.addi %mul3A_230, %add3A_239 : vector<16xi32>
        %gather3A_241 = tpu.vector_load_idx %arg13[%add3A_240] : memref<40960xf32, #tpu.memory_space<vmem>>[vector<16xi32>], vector<16xf32>,
        %gather3A_242 = tpu.vector_load_idx %arg13[%mul3A_233] : memref<40960xf32, #tpu.memory_space<vmem>>[vector<16xi32>], vector<16xf32>,
        %add3A_243 = arith.constant 1 : i32
        %add3A_244 = vector.broadcast %add3A_243 : i32 to vector<16xi32>
        %add3A_245 = arith.addi %mul3A_233, %add3A_244 : vector<16xi32>
        %gather3A_246 = tpu.vector_load_idx %arg13[%add3A_245] : memref<40960xf32, #tpu.memory_space<vmem>>[vector<16xi32>], vector<16xf32>,
        %add3A_247 = arith.constant 2 : i32
        %add3A_248 = vector.broadcast %add3A_247 : i32 to vector<16xi32>
        %add3A_249 = arith.addi %mul3A_233, %add3A_248 : vector<16xi32>
        %gather3A_250 = tpu.vector_load_idx %arg13[%add3A_249] : memref<40960xf32, #tpu.memory_space<vmem>>[vector<16xi32>], vector<16xf32>,
        %sub3A_251 = arith.subf %gather3A, %gather3A_242 : vector<16xf32>
        %sub3A_252 = arith.subf %gather3A_237, %gather3A_246 : vector<16xf32>
        %sub3A_253 = arith.subf %gather3A_241, %gather3A_250 : vector<16xf32>
        %mul3A_254 = arith.mulf %sub3A_251, %sub3A_251 : vector<16xf32>
        %mul3A_255 = arith.mulf %sub3A_252, %sub3A_252 : vector<16xf32>
        %add3A_256 = arith.addf %mul3A_254, %mul3A_255 : vector<16xf32>
        %mul3A_257 = arith.mulf %sub3A_253, %sub3A_253 : vector<16xf32>
        %add3A_258 = arith.addf %add3A_256, %mul3A_257 : vector<16xf32>
        %mul3A_259 = arith.constant 16 : i32
        %mul3A_260 = arith.muli %scan3A_216, %mul3A_259 : i32
        %add3A_261 = arith.constant 128 : i32
        %add3A_262 = arith.addi %add3A_261, %mul3A_260 : i32
        %add3A_263 = vector.broadcast %add3A_262 : i32 to vector<16xi32>
        %add3A_264 = arith.addi %iota3A, %add3A_263 : vector<16xi32>
        %mul3A_265 = arith.constant 8 : i32
        %mul3A_266 = vector.broadcast %mul3A_265 : i32 to vector<16xi32>
        %mul3A_267 = arith.muli %add3A_264, %mul3A_266 : vector<16xi32>
        tpu.vector_store_idx %arg12[%mul3A_267], %sub3A_251 : memref<4096xf32, #tpu.memory_space<vmem>>[vector<16xi32>], vector<16xf32>,
        %add3A_268 = arith.constant 1 : i32
        %add3A_269 = vector.broadcast %add3A_268 : i32 to vector<16xi32>
        %add3A_270 = arith.addi %mul3A_267, %add3A_269 : vector<16xi32>
        tpu.vector_store_idx %arg12[%add3A_270], %sub3A_252 : memref<4096xf32, #tpu.memory_space<vmem>>[vector<16xi32>], vector<16xf32>,
        %add3A_271 = arith.constant 2 : i32
        %add3A_272 = vector.broadcast %add3A_271 : i32 to vector<16xi32>
        %add3A_273 = arith.addi %mul3A_267, %add3A_272 : vector<16xi32>
        tpu.vector_store_idx %arg12[%add3A_273], %sub3A_253 : memref<4096xf32, #tpu.memory_space<vmem>>[vector<16xi32>], vector<16xf32>,
        %add3A_274 = arith.constant 3 : i32
        %add3A_275 = vector.broadcast %add3A_274 : i32 to vector<16xi32>
        %add3A_276 = arith.addi %mul3A_267, %add3A_275 : vector<16xi32>
        tpu.vector_store_idx %arg12[%add3A_276], %add3A_258 : memref<4096xf32, #tpu.memory_space<vmem>>[vector<16xi32>], vector<16xf32>,
      }
      %scan3A_161 = arith.constant 4 : i32
      %scan3A_162 = arith.constant 0 : i32
      %scan3A_163 = arith.constant 0 : i32
      %scan3A_164 = arith.constant 4 : i32
      %scan3A_165 = arith.addi %scan3A_163, %scan3A_164 : i32
      %scan3A_166 = arith.constant 1 : i32
      scf.for %scan3A_216 = %scan3A_163 to %scan3A_165 step %scan3A_166  : i32 {
        %mul3A_217 = arith.constant 16 : i32
        %mul3A_218 = arith.muli %scan3A_216, %mul3A_217 : i32
        %get3A = arith.constant 2 : i32
        %get3A_219 = arith.index_cast %get3A : i32 to index
        %get3A_220 = arith.index_cast %mul3A_218 : i32 to index
        %get3A_221 = tpu.vector_load %arg9[%get3A_219, %get3A_220] {strides = array<i32>} : memref<4x128xi32, #tpu.memory_space<vmem>>, vector<16xi32>,
        %mul3A_222 = arith.constant 16 : i32
        %mul3A_223 = arith.muli %scan3A_216, %mul3A_222 : i32
        %get3A_224 = arith.constant 2 : i32
        %get3A_225 = arith.index_cast %get3A_224 : i32 to index
        %get3A_226 = arith.index_cast %mul3A_223 : i32 to index
        %get3A_227 = tpu.vector_load %arg10[%get3A_225, %get3A_226] {strides = array<i32>} : memref<4x128xi32, #tpu.memory_space<vmem>>, vector<16xi32>,
        %mul3A_228 = arith.constant 4 : i32
        %mul3A_229 = vector.broadcast %mul3A_228 : i32 to vector<16xi32>
        %mul3A_230 = arith.muli %get3A_221, %mul3A_229 : vector<16xi32>
        %mul3A_231 = arith.constant 4 : i32
        %mul3A_232 = vector.broadcast %mul3A_231 : i32 to vector<16xi32>
        %mul3A_233 = arith.muli %get3A_227, %mul3A_232 : vector<16xi32>
        %gather3A = tpu.vector_load_idx %arg13[%mul3A_230] : memref<40960xf32, #tpu.memory_space<vmem>>[vector<16xi32>], vector<16xf32>,
        %add3A_234 = arith.constant 1 : i32
        %add3A_235 = vector.broadcast %add3A_234 : i32 to vector<16xi32>
        %add3A_236 = arith.addi %mul3A_230, %add3A_235 : vector<16xi32>
        %gather3A_237 = tpu.vector_load_idx %arg13[%add3A_236] : memref<40960xf32, #tpu.memory_space<vmem>>[vector<16xi32>], vector<16xf32>,
        %add3A_238 = arith.constant 2 : i32
        %add3A_239 = vector.broadcast %add3A_238 : i32 to vector<16xi32>
        %add3A_240 = arith.addi %mul3A_230, %add3A_239 : vector<16xi32>
        %gather3A_241 = tpu.vector_load_idx %arg13[%add3A_240] : memref<40960xf32, #tpu.memory_space<vmem>>[vector<16xi32>], vector<16xf32>,
        %gather3A_242 = tpu.vector_load_idx %arg13[%mul3A_233] : memref<40960xf32, #tpu.memory_space<vmem>>[vector<16xi32>], vector<16xf32>,
        %add3A_243 = arith.constant 1 : i32
        %add3A_244 = vector.broadcast %add3A_243 : i32 to vector<16xi32>
        %add3A_245 = arith.addi %mul3A_233, %add3A_244 : vector<16xi32>
        %gather3A_246 = tpu.vector_load_idx %arg13[%add3A_245] : memref<40960xf32, #tpu.memory_space<vmem>>[vector<16xi32>], vector<16xf32>,
        %add3A_247 = arith.constant 2 : i32
        %add3A_248 = vector.broadcast %add3A_247 : i32 to vector<16xi32>
        %add3A_249 = arith.addi %mul3A_233, %add3A_248 : vector<16xi32>
        %gather3A_250 = tpu.vector_load_idx %arg13[%add3A_249] : memref<40960xf32, #tpu.memory_space<vmem>>[vector<16xi32>], vector<16xf32>,
        %sub3A_251 = arith.subf %gather3A, %gather3A_242 : vector<16xf32>
        %sub3A_252 = arith.subf %gather3A_237, %gather3A_246 : vector<16xf32>
        %sub3A_253 = arith.subf %gather3A_241, %gather3A_250 : vector<16xf32>
        %mul3A_254 = arith.mulf %sub3A_251, %sub3A_251 : vector<16xf32>
        %mul3A_255 = arith.mulf %sub3A_252, %sub3A_252 : vector<16xf32>
        %add3A_256 = arith.addf %mul3A_254, %mul3A_255 : vector<16xf32>
        %mul3A_257 = arith.mulf %sub3A_253, %sub3A_253 : vector<16xf32>
        %add3A_258 = arith.addf %add3A_256, %mul3A_257 : vector<16xf32>
        %mul3A_259 = arith.constant 16 : i32
        %mul3A_260 = arith.muli %scan3A_216, %mul3A_259 : i32
        %add3A_261 = arith.constant 256 : i32
        %add3A_262 = arith.addi %add3A_261, %mul3A_260 : i32
        %add3A_263 = vector.broadcast %add3A_262 : i32 to vector<16xi32>
        %add3A_264 = arith.addi %iota3A, %add3A_263 : vector<16xi32>
        %mul3A_265 = arith.constant 8 : i32
        %mul3A_266 = vector.broadcast %mul3A_265 : i32 to vector<16xi32>
        %mul3A_267 = arith.muli %add3A_264, %mul3A_266 : vector<16xi32>
        tpu.vector_store_idx %arg12[%mul3A_267], %sub3A_251 : memref<4096xf32, #tpu.memory_space<vmem>>[vector<16xi32>], vector<16xf32>,
        %add3A_268 = arith.constant 1 : i32
        %add3A_269 = vector.broadcast %add3A_268 : i32 to vector<16xi32>
        %add3A_270 = arith.addi %mul3A_267, %add3A_269 : vector<16xi32>
        tpu.vector_store_idx %arg12[%add3A_270], %sub3A_252 : memref<4096xf32, #tpu.memory_space<vmem>>[vector<16xi32>], vector<16xf32>,
        %add3A_271 = arith.constant 2 : i32
        %add3A_272 = vector.broadcast %add3A_271 : i32 to vector<16xi32>
        %add3A_273 = arith.addi %mul3A_267, %add3A_272 : vector<16xi32>
        tpu.vector_store_idx %arg12[%add3A_273], %sub3A_253 : memref<4096xf32, #tpu.memory_space<vmem>>[vector<16xi32>], vector<16xf32>,
        %add3A_274 = arith.constant 3 : i32
        %add3A_275 = vector.broadcast %add3A_274 : i32 to vector<16xi32>
        %add3A_276 = arith.addi %mul3A_267, %add3A_275 : vector<16xi32>
        tpu.vector_store_idx %arg12[%add3A_276], %add3A_258 : memref<4096xf32, #tpu.memory_space<vmem>>[vector<16xi32>], vector<16xf32>,
      }
      %scan3A_167 = arith.constant 4 : i32
      %scan3A_168 = arith.constant 0 : i32
      %scan3A_169 = arith.constant 0 : i32
      %scan3A_170 = arith.constant 4 : i32
      %scan3A_171 = arith.addi %scan3A_169, %scan3A_170 : i32
      %scan3A_172 = arith.constant 1 : i32
      scf.for %scan3A_216 = %scan3A_169 to %scan3A_171 step %scan3A_172  : i32 {
        %mul3A_217 = arith.constant 16 : i32
        %mul3A_218 = arith.muli %scan3A_216, %mul3A_217 : i32
        %get3A = arith.constant 3 : i32
        %get3A_219 = arith.index_cast %get3A : i32 to index
        %get3A_220 = arith.index_cast %mul3A_218 : i32 to index
        %get3A_221 = tpu.vector_load %arg9[%get3A_219, %get3A_220] {strides = array<i32>} : memref<4x128xi32, #tpu.memory_space<vmem>>, vector<16xi32>,
        %mul3A_222 = arith.constant 16 : i32
        %mul3A_223 = arith.muli %scan3A_216, %mul3A_222 : i32
        %get3A_224 = arith.constant 3 : i32
        %get3A_225 = arith.index_cast %get3A_224 : i32 to index
        %get3A_226 = arith.index_cast %mul3A_223 : i32 to index
        %get3A_227 = tpu.vector_load %arg10[%get3A_225, %get3A_226] {strides = array<i32>} : memref<4x128xi32, #tpu.memory_space<vmem>>, vector<16xi32>,
        %mul3A_228 = arith.constant 4 : i32
        %mul3A_229 = vector.broadcast %mul3A_228 : i32 to vector<16xi32>
        %mul3A_230 = arith.muli %get3A_221, %mul3A_229 : vector<16xi32>
        %mul3A_231 = arith.constant 4 : i32
        %mul3A_232 = vector.broadcast %mul3A_231 : i32 to vector<16xi32>
        %mul3A_233 = arith.muli %get3A_227, %mul3A_232 : vector<16xi32>
        %gather3A = tpu.vector_load_idx %arg13[%mul3A_230] : memref<40960xf32, #tpu.memory_space<vmem>>[vector<16xi32>], vector<16xf32>,
        %add3A_234 = arith.constant 1 : i32
        %add3A_235 = vector.broadcast %add3A_234 : i32 to vector<16xi32>
        %add3A_236 = arith.addi %mul3A_230, %add3A_235 : vector<16xi32>
        %gather3A_237 = tpu.vector_load_idx %arg13[%add3A_236] : memref<40960xf32, #tpu.memory_space<vmem>>[vector<16xi32>], vector<16xf32>,
        %add3A_238 = arith.constant 2 : i32
        %add3A_239 = vector.broadcast %add3A_238 : i32 to vector<16xi32>
        %add3A_240 = arith.addi %mul3A_230, %add3A_239 : vector<16xi32>
        %gather3A_241 = tpu.vector_load_idx %arg13[%add3A_240] : memref<40960xf32, #tpu.memory_space<vmem>>[vector<16xi32>], vector<16xf32>,
        %gather3A_242 = tpu.vector_load_idx %arg13[%mul3A_233] : memref<40960xf32, #tpu.memory_space<vmem>>[vector<16xi32>], vector<16xf32>,
        %add3A_243 = arith.constant 1 : i32
        %add3A_244 = vector.broadcast %add3A_243 : i32 to vector<16xi32>
        %add3A_245 = arith.addi %mul3A_233, %add3A_244 : vector<16xi32>
        %gather3A_246 = tpu.vector_load_idx %arg13[%add3A_245] : memref<40960xf32, #tpu.memory_space<vmem>>[vector<16xi32>], vector<16xf32>,
        %add3A_247 = arith.constant 2 : i32
        %add3A_248 = vector.broadcast %add3A_247 : i32 to vector<16xi32>
        %add3A_249 = arith.addi %mul3A_233, %add3A_248 : vector<16xi32>
        %gather3A_250 = tpu.vector_load_idx %arg13[%add3A_249] : memref<40960xf32, #tpu.memory_space<vmem>>[vector<16xi32>], vector<16xf32>,
        %sub3A_251 = arith.subf %gather3A, %gather3A_242 : vector<16xf32>
        %sub3A_252 = arith.subf %gather3A_237, %gather3A_246 : vector<16xf32>
        %sub3A_253 = arith.subf %gather3A_241, %gather3A_250 : vector<16xf32>
        %mul3A_254 = arith.mulf %sub3A_251, %sub3A_251 : vector<16xf32>
        %mul3A_255 = arith.mulf %sub3A_252, %sub3A_252 : vector<16xf32>
        %add3A_256 = arith.addf %mul3A_254, %mul3A_255 : vector<16xf32>
        %mul3A_257 = arith.mulf %sub3A_253, %sub3A_253 : vector<16xf32>
        %add3A_258 = arith.addf %add3A_256, %mul3A_257 : vector<16xf32>
        %mul3A_259 = arith.constant 16 : i32
        %mul3A_260 = arith.muli %scan3A_216, %mul3A_259 : i32
        %add3A_261 = arith.constant 384 : i32
        %add3A_262 = arith.addi %add3A_261, %mul3A_260 : i32
        %add3A_263 = vector.broadcast %add3A_262 : i32 to vector<16xi32>
        %add3A_264 = arith.addi %iota3A, %add3A_263 : vector<16xi32>
        %mul3A_265 = arith.constant 8 : i32
        %mul3A_266 = vector.broadcast %mul3A_265 : i32 to vector<16xi32>
        %mul3A_267 = arith.muli %add3A_264, %mul3A_266 : vector<16xi32>
        tpu.vector_store_idx %arg12[%mul3A_267], %sub3A_251 : memref<4096xf32, #tpu.memory_space<vmem>>[vector<16xi32>], vector<16xf32>,
        %add3A_268 = arith.constant 1 : i32
        %add3A_269 = vector.broadcast %add3A_268 : i32 to vector<16xi32>
        %add3A_270 = arith.addi %mul3A_267, %add3A_269 : vector<16xi32>
        tpu.vector_store_idx %arg12[%add3A_270], %sub3A_252 : memref<4096xf32, #tpu.memory_space<vmem>>[vector<16xi32>], vector<16xf32>,
        %add3A_271 = arith.constant 2 : i32
        %add3A_272 = vector.broadcast %add3A_271 : i32 to vector<16xi32>
        %add3A_273 = arith.addi %mul3A_267, %add3A_272 : vector<16xi32>
        tpu.vector_store_idx %arg12[%add3A_273], %sub3A_253 : memref<4096xf32, #tpu.memory_space<vmem>>[vector<16xi32>], vector<16xf32>,
        %add3A_274 = arith.constant 3 : i32
        %add3A_275 = vector.broadcast %add3A_274 : i32 to vector<16xi32>
        %add3A_276 = arith.addi %mul3A_267, %add3A_275 : vector<16xi32>
        tpu.vector_store_idx %arg12[%add3A_276], %add3A_258 : memref<4096xf32, #tpu.memory_space<vmem>>[vector<16xi32>], vector<16xf32>,
      }
      %scan3A_173 = arith.constant 4 : i32
      %dma_wait3A_174 = arith.constant 0 : i32
      %dma_wait3A_175 = arith.constant 0 : i32
      %dma_wait3A_176 = arith.constant 0 : i32
      %dma_wait3A_177 = tpu.memref_slice %arg11[%dma_wait3A_175, %dma_wait3A_176] : memref<512x64xf32, #tpu.memory_space<vmem>> -> memref<128x64xf32, #tpu.memory_space<vmem>>
      %dma_wait3A_178 = arith.constant 0 : i32
      %dma_wait3A_179 = tpu.memref_slice %arg10[%dma_wait3A_174, %dma_wait3A_178] : memref<4x128xi32, #tpu.memory_space<vmem>> -> memref<1x128xi32, #tpu.memory_space<vmem>>
      %dma_wait3A_180 = tpu.memref_squeeze %dma_wait3A_179 : memref<1x128xi32, #tpu.memory_space<vmem>> -> memref<128xi32, #tpu.memory_space<vmem>>
      %dma_wait3A_181 = arith.constant 0 : i32
      %dma_wait3A_182 = arith.constant 0 : i32
      %dma_wait3A_183 = tpu.memref_slice %arg3[%dma_wait3A_181, %dma_wait3A_182] : memref<10240x64xf32, #tpu.memory_space<hbm>> -> memref<10240x64xf32, #tpu.memory_space<hbm>>
      tpu.wait_indirect_dma semaphore(%arg14 : memref<!tpu.dma_semaphore, #tpu.memory_space<semaphore_mem>>) src(%dma_wait3A_183 : memref<10240x64xf32, #tpu.memory_space<hbm>>) dst(%dma_wait3A_177 : memref<128x64xf32, #tpu.memory_space<vmem>>)
      %dma_wait3A_184 = arith.constant 1 : i32
      %dma_wait3A_185 = arith.constant 128 : i32
      %dma_wait3A_186 = arith.constant 0 : i32
      %dma_wait3A_187 = tpu.memref_slice %arg11[%dma_wait3A_185, %dma_wait3A_186] : memref<512x64xf32, #tpu.memory_space<vmem>> -> memref<128x64xf32, #tpu.memory_space<vmem>>
      %dma_wait3A_188 = arith.constant 0 : i32
      %dma_wait3A_189 = tpu.memref_slice %arg10[%dma_wait3A_184, %dma_wait3A_188] : memref<4x128xi32, #tpu.memory_space<vmem>> -> memref<1x128xi32, #tpu.memory_space<vmem>>
      %dma_wait3A_190 = tpu.memref_squeeze %dma_wait3A_189 : memref<1x128xi32, #tpu.memory_space<vmem>> -> memref<128xi32, #tpu.memory_space<vmem>>
      %dma_wait3A_191 = arith.constant 0 : i32
      %dma_wait3A_192 = arith.constant 0 : i32
      %dma_wait3A_193 = tpu.memref_slice %arg3[%dma_wait3A_191, %dma_wait3A_192] : memref<10240x64xf32, #tpu.memory_space<hbm>> -> memref<10240x64xf32, #tpu.memory_space<hbm>>
      tpu.wait_indirect_dma semaphore(%arg14 : memref<!tpu.dma_semaphore, #tpu.memory_space<semaphore_mem>>) src(%dma_wait3A_193 : memref<10240x64xf32, #tpu.memory_space<hbm>>) dst(%dma_wait3A_187 : memref<128x64xf32, #tpu.memory_space<vmem>>)
      %dma_wait3A_194 = arith.constant 2 : i32
      %dma_wait3A_195 = arith.constant 256 : i32
      %dma_wait3A_196 = arith.constant 0 : i32
      %dma_wait3A_197 = tpu.memref_slice %arg11[%dma_wait3A_195, %dma_wait3A_196] : memref<512x64xf32, #tpu.memory_space<vmem>> -> memref<128x64xf32, #tpu.memory_space<vmem>>
      %dma_wait3A_198 = arith.constant 0 : i32
      %dma_wait3A_199 = tpu.memref_slice %arg10[%dma_wait3A_194, %dma_wait3A_198] : memref<4x128xi32, #tpu.memory_space<vmem>> -> memref<1x128xi32, #tpu.memory_space<vmem>>
      %dma_wait3A_200 = tpu.memref_squeeze %dma_wait3A_199 : memref<1x128xi32, #tpu.memory_space<vmem>> -> memref<128xi32, #tpu.memory_space<vmem>>
      %dma_wait3A_201 = arith.constant 0 : i32
      %dma_wait3A_202 = arith.constant 0 : i32
      %dma_wait3A_203 = tpu.memref_slice %arg3[%dma_wait3A_201, %dma_wait3A_202] : memref<10240x64xf32, #tpu.memory_space<hbm>> -> memref<10240x64xf32, #tpu.memory_space<hbm>>
      tpu.wait_indirect_dma semaphore(%arg14 : memref<!tpu.dma_semaphore, #tpu.memory_space<semaphore_mem>>) src(%dma_wait3A_203 : memref<10240x64xf32, #tpu.memory_space<hbm>>) dst(%dma_wait3A_197 : memref<128x64xf32, #tpu.memory_space<vmem>>)
      %dma_wait3A_204 = arith.constant 3 : i32
      %dma_wait3A_205 = arith.constant 384 : i32
      %dma_wait3A_206 = arith.constant 0 : i32
      %dma_wait3A_207 = tpu.memref_slice %arg11[%dma_wait3A_205, %dma_wait3A_206] : memref<512x64xf32, #tpu.memory_space<vmem>> -> memref<128x64xf32, #tpu.memory_space<vmem>>
      %dma_wait3A_208 = arith.constant 0 : i32
      %dma_wait3A_209 = tpu.memref_slice %arg10[%dma_wait3A_204, %dma_wait3A_208] : memref<4x128xi32, #tpu.memory_space<vmem>> -> memref<1x128xi32, #tpu.memory_space<vmem>>
      %dma_wait3A_210 = tpu.memref_squeeze %dma_wait3A_209 : memref<1x128xi32, #tpu.memory_space<vmem>> -> memref<128xi32, #tpu.memory_space<vmem>>
      %dma_wait3A_211 = arith.constant 0 : i32
      %dma_wait3A_212 = arith.constant 0 : i32
      %dma_wait3A_213 = tpu.memref_slice %arg3[%dma_wait3A_211, %dma_wait3A_212] : memref<10240x64xf32, #tpu.memory_space<hbm>> -> memref<10240x64xf32, #tpu.memory_space<hbm>>
      tpu.wait_indirect_dma semaphore(%arg14 : memref<!tpu.dma_semaphore, #tpu.memory_space<semaphore_mem>>) src(%dma_wait3A_213 : memref<10240x64xf32, #tpu.memory_space<hbm>>) dst(%dma_wait3A_207 : memref<128x64xf32, #tpu.memory_space<vmem>>)
      "tpu.region"() ({
        %run_scoped3A = tpu.sem_alloc : memref<!tpu.dma_semaphore, #tpu.memory_space<semaphore_mem>>
        %dma_start3A_216 = arith.constant 0 : i32
        %dma_start3A_217 = tpu.memref_slice %arg7[%multiple_of3A, %dma_start3A_216] : memref<327680x64xf32, #tpu.memory_space<hbm>> -> memref<512x64xf32, #tpu.memory_space<hbm>>
        %dma_start3A_218 = arith.constant 0 : i32
        %dma_start3A_219 = tpu.memref_slice %arg7[%multiple_of3A, %dma_start3A_218] : memref<327680x64xf32, #tpu.memory_space<hbm>> -> memref<512x64xf32, #tpu.memory_space<hbm>>
        tpu.enqueue_dma source(%arg11 : memref<512x64xf32, #tpu.memory_space<vmem>>) target(%dma_start3A_219 : memref<512x64xf32, #tpu.memory_space<hbm>>) target_semaphore(%run_scoped3A : memref<!tpu.dma_semaphore, #tpu.memory_space<semaphore_mem>>)
        %dma_wait3A_220 = arith.constant 0 : i32
        %dma_wait3A_221 = tpu.memref_slice %arg7[%multiple_of3A, %dma_wait3A_220] : memref<327680x64xf32, #tpu.memory_space<hbm>> -> memref<512x64xf32, #tpu.memory_space<hbm>>
        %dma_wait3A_222 = arith.constant 0 : i32
        %dma_wait3A_223 = tpu.memref_slice %arg7[%multiple_of3A, %dma_wait3A_222] : memref<327680x64xf32, #tpu.memory_space<hbm>> -> memref<512x64xf32, #tpu.memory_space<hbm>>
        tpu.wait_dma2 semaphore(%run_scoped3A : memref<!tpu.dma_semaphore, #tpu.memory_space<semaphore_mem>>) src(%arg11 : memref<512x64xf32, #tpu.memory_space<vmem>>) dst(%dma_wait3A_223 : memref<512x64xf32, #tpu.memory_space<hbm>>)
        tpu.yield
      }) : () -> ()
      %mul3A_214 = arith.constant 8 : i32
      %mul3A_215 = arith.muli %multiple_of3A, %mul3A_214 : i32
      "tpu.region"() ({
        %run_scoped3A = tpu.sem_alloc : memref<!tpu.dma_semaphore, #tpu.memory_space<semaphore_mem>>
        %dma_start3A_216 = tpu.memref_slice %arg8[%mul3A_215] : memref<2621440xf32, #tpu.memory_space<hbm>> -> memref<4096xf32, #tpu.memory_space<hbm>>
        %dma_start3A_217 = tpu.memref_slice %arg8[%mul3A_215] : memref<2621440xf32, #tpu.memory_space<hbm>> -> memref<4096xf32, #tpu.memory_space<hbm>>
        tpu.enqueue_dma source(%arg12 : memref<4096xf32, #tpu.memory_space<vmem>>) target(%dma_start3A_217 : memref<4096xf32, #tpu.memory_space<hbm>>) target_semaphore(%run_scoped3A : memref<!tpu.dma_semaphore, #tpu.memory_space<semaphore_mem>>)
        %dma_wait3A_218 = tpu.memref_slice %arg8[%mul3A_215] : memref<2621440xf32, #tpu.memory_space<hbm>> -> memref<4096xf32, #tpu.memory_space<hbm>>
        %dma_wait3A_219 = tpu.memref_slice %arg8[%mul3A_215] : memref<2621440xf32, #tpu.memory_space<hbm>> -> memref<4096xf32, #tpu.memory_space<hbm>>
        tpu.wait_dma2 semaphore(%run_scoped3A : memref<!tpu.dma_semaphore, #tpu.memory_space<semaphore_mem>>) src(%arg12 : memref<4096xf32, #tpu.memory_space<vmem>>) dst(%dma_wait3A_219 : memref<4096xf32, #tpu.memory_space<hbm>>)
        tpu.yield
      }) : () -> ()
    }
    %scan3A_7 = arith.constant 20 : i32
    return
  }
}

module attributes {stable_mosaic.version = 14 : i64} {
  func.func @_tc0_body(%arg0: i32, %arg1: memref<1024x128xf32, #tpu.memory_space<vmem>>, %arg2: memref<128x64xf32, #tpu.memory_space<vmem>>, %arg3: memref<128x64xf32, #tpu.memory_space<vmem>>, %arg4: memref<1024x64xf32, #tpu.memory_space<vmem>>, %arg5: memref<1024x64xf32, #tpu.memory_space<vmem>>) attributes {dimension_semantics = [#tpu.dimension_semantics<arbitrary>], iteration_bounds = array<i64: 10>, scalar_prefetch = 0 : i64, scratch_operands = 0 : i64, tpu.core_type = #tpu.core_type<tc>, window_params = [{transform_indices = @transform_0, window_bounds = array<i64: 1024, 128>}, {pipeline_mode = #tpu.pipeline_mode<synchronous>, transform_indices = @transform_1, window_bounds = array<i64: 128, 64>}, {pipeline_mode = #tpu.pipeline_mode<synchronous>, transform_indices = @transform_2, window_bounds = array<i64: 128, 64>}, {transform_indices = @transform_3, window_bounds = array<i64: 1024, 64>}, {transform_indices = @transform_4, window_bounds = array<i64: 1024, 64>}]} {
    %get3A = arith.constant 0 : index
    %get3A_0 = arith.constant 0 : index
    %get3A_1 = vector.load %arg1[%get3A, %get3A_0] : memref<1024x128xf32, #tpu.memory_space<vmem>>, vector<1024x128xf32>
    %get3A_2 = arith.constant 0 : index
    %get3A_3 = arith.constant 0 : index
    %get3A_4 = vector.load %arg2[%get3A_2, %get3A_3] : memref<128x64xf32, #tpu.memory_space<vmem>>, vector<128x64xf32>
    %dot_general3A = arith.constant dense<0.000000e+00> : vector<1024x64xf32>
    %dot_general3A_5 = tpu.matmul %get3A_1, %get3A_4, %dot_general3A {dimension_numbers = #tpu.dot_dimension_numbers<[1], [0], [0], [1], [0, 0, 1, 1], [], []>, transpose_lhs_hint = false} : vector<1024x128xf32>, vector<128x64xf32>, vector<1024x64xf32> -> vector<1024x64xf32>
    %swap3A = arith.constant 0 : index
    %swap3A_6 = arith.constant 0 : index
    %swap3A_7 = vector.load %arg4[%swap3A, %swap3A_6] : memref<1024x64xf32, #tpu.memory_space<vmem>>, vector<1024x64xf32>
    tpu.vector_store %arg4[%swap3A, %swap3A_6], %dot_general3A_5 {strides = array<i32>} : memref<1024x64xf32, #tpu.memory_space<vmem>>, vector<1024x64xf32>,
    %get3A_8 = arith.constant 0 : index
    %get3A_9 = arith.constant 0 : index
    %get3A_10 = vector.load %arg3[%get3A_8, %get3A_9] : memref<128x64xf32, #tpu.memory_space<vmem>>, vector<128x64xf32>
    %dot_general3A_11 = arith.constant dense<0.000000e+00> : vector<1024x64xf32>
    %dot_general3A_12 = tpu.matmul %get3A_1, %get3A_10, %dot_general3A_11 {dimension_numbers = #tpu.dot_dimension_numbers<[1], [0], [0], [1], [0, 0, 1, 1], [], []>, transpose_lhs_hint = false} : vector<1024x128xf32>, vector<128x64xf32>, vector<1024x64xf32> -> vector<1024x64xf32>
    %swap3A_13 = arith.constant 0 : index
    %swap3A_14 = arith.constant 0 : index
    %swap3A_15 = vector.load %arg5[%swap3A_13, %swap3A_14] : memref<1024x64xf32, #tpu.memory_space<vmem>>, vector<1024x64xf32>
    tpu.vector_store %arg5[%swap3A_13, %swap3A_14], %dot_general3A_12 {strides = array<i32>} : memref<1024x64xf32, #tpu.memory_space<vmem>>, vector<1024x64xf32>,
    return
  }
  func.func @transform_0(%arg0: i32) -> (i32, i32) {
    %c0_i32 = arith.constant 0 : i32
    %c0_i32_0 = arith.constant 0 : i32
    return %arg0, %c0_i32 : i32, i32
  }
  func.func @transform_1(%arg0: i32) -> (i32, i32) {
    %c0_i32 = arith.constant 0 : i32
    %c0_i32_0 = arith.constant 0 : i32
    %c0_i32_1 = arith.constant 0 : i32
    return %c0_i32, %c0_i32_0 : i32, i32
  }
  func.func @transform_2(%arg0: i32) -> (i32, i32) {
    %c0_i32 = arith.constant 0 : i32
    %c0_i32_0 = arith.constant 0 : i32
    %c0_i32_1 = arith.constant 0 : i32
    return %c0_i32, %c0_i32_0 : i32, i32
  }
  func.func @transform_3(%arg0: i32) -> (i32, i32) {
    %c0_i32 = arith.constant 0 : i32
    %c0_i32_0 = arith.constant 0 : i32
    return %arg0, %c0_i32 : i32, i32
  }
  func.func @transform_4(%arg0: i32) -> (i32, i32) {
    %c0_i32 = arith.constant 0 : i32
    %c0_i32_0 = arith.constant 0 : i32
    return %arg0, %c0_i32 : i32, i32
  }
}

module attributes {stable_mosaic.version = 14 : i64} {
  func.func @_tcb_body(%arg0: i32, %arg1: memref<2048x64xf32, #tpu.memory_space<vmem>>, %arg2: memref<2048x8xf32, #tpu.memory_space<vmem>>, %arg3: memref<1x64xf32, #tpu.memory_space<vmem>>, %arg4: memref<1x64xf32, #tpu.memory_space<vmem>>, %arg5: memref<64x64xf32, #tpu.memory_space<vmem>>, %arg6: memref<1x64xf32, #tpu.memory_space<vmem>>, %arg7: memref<1x64xf32, #tpu.memory_space<vmem>>, %arg8: memref<1x64xf32, #tpu.memory_space<vmem>>, %arg9: memref<64x64xf32, #tpu.memory_space<vmem>>, %arg10: memref<1x64xf32, #tpu.memory_space<vmem>>, %arg11: memref<1x64xf32, #tpu.memory_space<vmem>>, %arg12: memref<2048x128xf32, #tpu.memory_space<vmem>>) attributes {dimension_semantics = [#tpu.dimension_semantics<arbitrary>], iteration_bounds = array<i64: 160>, scalar_prefetch = 0 : i64, scratch_operands = 0 : i64, tpu.core_type = #tpu.core_type<tc>, window_params = [{transform_indices = @transform_0, window_bounds = array<i64: 2048, 64>}, {transform_indices = @transform_1, window_bounds = array<i64: 2048, 8>}, {pipeline_mode = #tpu.pipeline_mode<synchronous>, transform_indices = @transform_2, window_bounds = array<i64: 1, 64>}, {pipeline_mode = #tpu.pipeline_mode<synchronous>, transform_indices = @transform_3, window_bounds = array<i64: 1, 64>}, {pipeline_mode = #tpu.pipeline_mode<synchronous>, transform_indices = @transform_4, window_bounds = array<i64: 64, 64>}, {pipeline_mode = #tpu.pipeline_mode<synchronous>, transform_indices = @transform_5, window_bounds = array<i64: 1, 64>}, {pipeline_mode = #tpu.pipeline_mode<synchronous>, transform_indices = @transform_6, window_bounds = array<i64: 1, 64>}, {pipeline_mode = #tpu.pipeline_mode<synchronous>, transform_indices = @transform_7, window_bounds = array<i64: 1, 64>}, {pipeline_mode = #tpu.pipeline_mode<synchronous>, transform_indices = @transform_8, window_bounds = array<i64: 64, 64>}, {pipeline_mode = #tpu.pipeline_mode<synchronous>, transform_indices = @transform_9, window_bounds = array<i64: 1, 64>}, {pipeline_mode = #tpu.pipeline_mode<synchronous>, transform_indices = @transform_10, window_bounds = array<i64: 1, 64>}, {transform_indices = @transform_11, window_bounds = array<i64: 2048, 128>}]} {
    %get3A = arith.constant 0 : index
    %get3A_0 = arith.constant 0 : index
    %get3A_1 = vector.load %arg1[%get3A, %get3A_0] : memref<2048x64xf32, #tpu.memory_space<vmem>>, vector<2048x64xf32>
    %get3A_2 = arith.constant 0 : index
    %get3A_3 = arith.constant 0 : index
    %get3A_4 = vector.load %arg2[%get3A_2, %get3A_3] : memref<2048x8xf32, #tpu.memory_space<vmem>>, vector<2048x8xf32>
    %slice3A = vector.extract_strided_slice %get3A_4 {offsets = [0, 3], sizes = [2048, 1], strides = [1, 1]} : vector<2048x8xf32> to vector<2048x1xf32>
    %sqrt3A = math.sqrt %slice3A : vector<2048x1xf32>
    %add3A = arith.constant 9.99999993E-9 : f32
    %add3A_5 = vector.broadcast %add3A : f32 to vector<2048x1xf32>
    %add3A_6 = arith.addf %sqrt3A, %add3A_5 : vector<2048x1xf32>
    %get3A_7 = arith.constant 0 : index
    %get3A_8 = arith.constant 0 : index
    %get3A_9 = vector.load %arg3[%get3A_7, %get3A_8] : memref<1x64xf32, #tpu.memory_space<vmem>>, vector<1x64xf32>
    %mul3A = vector.broadcast %add3A_6 : vector<2048x1xf32> to vector<2048x64xf32>
    %mul3A_10 = vector.broadcast %get3A_9 : vector<1x64xf32> to vector<2048x64xf32>
    %mul3A_11 = arith.mulf %mul3A, %mul3A_10 : vector<2048x64xf32>
    %add3A_12 = arith.addf %get3A_1, %mul3A_11 : vector<2048x64xf32>
    %get3A_13 = arith.constant 0 : index
    %get3A_14 = arith.constant 0 : index
    %get3A_15 = vector.load %arg4[%get3A_13, %get3A_14] : memref<1x64xf32, #tpu.memory_space<vmem>>, vector<1x64xf32>
    %add3A_16 = vector.broadcast %get3A_15 : vector<1x64xf32> to vector<2048x64xf32>
    %add3A_17 = arith.addf %add3A_12, %add3A_16 : vector<2048x64xf32>
    %jit3A = arith.constant 1.000000e-01 : f32
    %ge3A = arith.constant 0.000000e+00 : f32
    %ge3A_18 = vector.broadcast %ge3A : f32 to vector<2048x64xf32>
    %ge3A_19 = arith.cmpf oge, %add3A_17, %ge3A_18 : vector<2048x64xf32>
    %mul3A_20 = vector.broadcast %jit3A : f32 to vector<2048x64xf32>
    %mul3A_21 = arith.mulf %mul3A_20, %add3A_17 : vector<2048x64xf32>
    %select_n3A = arith.select %ge3A_19, %add3A_17, %mul3A_21 : vector<2048x64xi1>, vector<2048x64xf32>
    %get3A_22 = arith.constant 0 : index
    %get3A_23 = arith.constant 0 : index
    %get3A_24 = vector.load %arg5[%get3A_22, %get3A_23] : memref<64x64xf32, #tpu.memory_space<vmem>>, vector<64x64xf32>
    %dot_general3A = arith.constant dense<0.000000e+00> : vector<2048x64xf32>
    %dot_general3A_25 = tpu.matmul %select_n3A, %get3A_24, %dot_general3A {dimension_numbers = #tpu.dot_dimension_numbers<[1], [0], [0], [1], [0, 0, 1, 1], [], []>, transpose_lhs_hint = false} : vector<2048x64xf32>, vector<64x64xf32>, vector<2048x64xf32> -> vector<2048x64xf32>
    %get3A_26 = arith.constant 0 : index
    %get3A_27 = arith.constant 0 : index
    %get3A_28 = vector.load %arg6[%get3A_26, %get3A_27] : memref<1x64xf32, #tpu.memory_space<vmem>>, vector<1x64xf32>
    %add3A_29 = vector.broadcast %get3A_28 : vector<1x64xf32> to vector<2048x64xf32>
    %add3A_30 = arith.addf %dot_general3A_25, %add3A_29 : vector<2048x64xf32>
    %jit3A_31 = arith.constant 1.000000e-01 : f32
    %ge3A_32 = arith.constant 0.000000e+00 : f32
    %ge3A_33 = vector.broadcast %ge3A_32 : f32 to vector<2048x64xf32>
    %ge3A_34 = arith.cmpf oge, %add3A_30, %ge3A_33 : vector<2048x64xf32>
    %mul3A_35 = vector.broadcast %jit3A_31 : f32 to vector<2048x64xf32>
    %mul3A_36 = arith.mulf %mul3A_35, %add3A_30 : vector<2048x64xf32>
    %select_n3A_37 = arith.select %ge3A_34, %add3A_30, %mul3A_36 : vector<2048x64xi1>, vector<2048x64xf32>
    %reduce_sum3A = arith.constant dense<0.000000e+00> : vector<2048xf32>
    %reduce_sum3A_38 = vector.multi_reduction <add>, %select_n3A_37, %reduce_sum3A [1] : vector<2048x64xf32> to vector<2048xf32>
    %broadcast_in_dim3A = vector.shape_cast %reduce_sum3A_38 : vector<2048xf32> to vector<2048x1xf32>
    %div3A = arith.constant 6.400000e+01 : f32
    %div3A_39 = vector.broadcast %div3A : f32 to vector<2048x1xf32>
    %div3A_40 = arith.divf %broadcast_in_dim3A, %div3A_39 : vector<2048x1xf32>
    %sub3A = vector.broadcast %div3A_40 : vector<2048x1xf32> to vector<2048x64xf32>
    %sub3A_41 = arith.subf %select_n3A_37, %sub3A : vector<2048x64xf32>
    %integer_pow3A = arith.mulf %sub3A_41, %sub3A_41 : vector<2048x64xf32>
    %reduce_sum3A_42 = arith.constant dense<0.000000e+00> : vector<2048xf32>
    %reduce_sum3A_43 = vector.multi_reduction <add>, %integer_pow3A, %reduce_sum3A_42 [1] : vector<2048x64xf32> to vector<2048xf32>
    %broadcast_in_dim3A_44 = vector.shape_cast %reduce_sum3A_43 : vector<2048xf32> to vector<2048x1xf32>
    %div3A_45 = arith.constant 6.400000e+01 : f32
    %div3A_46 = vector.broadcast %div3A_45 : f32 to vector<2048x1xf32>
    %div3A_47 = arith.divf %broadcast_in_dim3A_44, %div3A_46 : vector<2048x1xf32>
    %sub3A_48 = vector.broadcast %div3A_40 : vector<2048x1xf32> to vector<2048x64xf32>
    %sub3A_49 = arith.subf %select_n3A_37, %sub3A_48 : vector<2048x64xf32>
    %add3A_50 = arith.constant 9.99999974E-6 : f32
    %add3A_51 = vector.broadcast %add3A_50 : f32 to vector<2048x1xf32>
    %add3A_52 = arith.addf %div3A_47, %add3A_51 : vector<2048x1xf32>
    %sqrt3A_53 = math.sqrt %add3A_52 : vector<2048x1xf32>
    %div3A_54 = vector.broadcast %sqrt3A_53 : vector<2048x1xf32> to vector<2048x64xf32>
    %div3A_55 = arith.divf %sub3A_49, %div3A_54 : vector<2048x64xf32>
    %get3A_56 = arith.constant 0 : index
    %get3A_57 = arith.constant 0 : index
    %get3A_58 = vector.load %arg7[%get3A_56, %get3A_57] : memref<1x64xf32, #tpu.memory_space<vmem>>, vector<1x64xf32>
    %mul3A_59 = vector.broadcast %get3A_58 : vector<1x64xf32> to vector<2048x64xf32>
    %mul3A_60 = arith.mulf %div3A_55, %mul3A_59 : vector<2048x64xf32>
    %get3A_61 = arith.constant 0 : index
    %get3A_62 = arith.constant 0 : index
    %get3A_63 = vector.load %arg8[%get3A_61, %get3A_62] : memref<1x64xf32, #tpu.memory_space<vmem>>, vector<1x64xf32>
    %add3A_64 = vector.broadcast %get3A_63 : vector<1x64xf32> to vector<2048x64xf32>
    %add3A_65 = arith.addf %mul3A_60, %add3A_64 : vector<2048x64xf32>
    %get3A_66 = arith.constant 0 : index
    %get3A_67 = arith.constant 0 : index
    %get3A_68 = vector.load %arg9[%get3A_66, %get3A_67] : memref<64x64xf32, #tpu.memory_space<vmem>>, vector<64x64xf32>
    %dot_general3A_69 = arith.constant dense<0.000000e+00> : vector<2048x64xf32>
    %dot_general3A_70 = tpu.matmul %add3A_65, %get3A_68, %dot_general3A_69 {dimension_numbers = #tpu.dot_dimension_numbers<[1], [0], [0], [1], [0, 0, 1, 1], [], []>, transpose_lhs_hint = false} : vector<2048x64xf32>, vector<64x64xf32>, vector<2048x64xf32> -> vector<2048x64xf32>
    %get3A_71 = arith.constant 0 : index
    %get3A_72 = arith.constant 0 : index
    %get3A_73 = vector.load %arg10[%get3A_71, %get3A_72] : memref<1x64xf32, #tpu.memory_space<vmem>>, vector<1x64xf32>
    %add3A_74 = vector.broadcast %get3A_73 : vector<1x64xf32> to vector<2048x64xf32>
    %add3A_75 = arith.addf %dot_general3A_70, %add3A_74 : vector<2048x64xf32>
    %jit3A_76 = arith.constant 1.000000e-01 : f32
    %ge3A_77 = arith.constant 0.000000e+00 : f32
    %ge3A_78 = vector.broadcast %ge3A_77 : f32 to vector<2048x64xf32>
    %ge3A_79 = arith.cmpf oge, %add3A_75, %ge3A_78 : vector<2048x64xf32>
    %mul3A_80 = vector.broadcast %jit3A_76 : f32 to vector<2048x64xf32>
    %mul3A_81 = arith.mulf %mul3A_80, %add3A_75 : vector<2048x64xf32>
    %select_n3A_82 = arith.select %ge3A_79, %add3A_75, %mul3A_81 : vector<2048x64xi1>, vector<2048x64xf32>
    %get3A_83 = arith.constant 0 : index
    %get3A_84 = arith.constant 0 : index
    %get3A_85 = vector.load %arg11[%get3A_83, %get3A_84] : memref<1x64xf32, #tpu.memory_space<vmem>>, vector<1x64xf32>
    %mul3A_86 = vector.broadcast %get3A_85 : vector<1x64xf32> to vector<2048x64xf32>
    %mul3A_87 = arith.mulf %select_n3A_82, %mul3A_86 : vector<2048x64xf32>
    %reduce_sum3A_88 = arith.constant dense<0.000000e+00> : vector<2048xf32>
    %reduce_sum3A_89 = vector.multi_reduction <add>, %mul3A_87, %reduce_sum3A_88 [1] : vector<2048x64xf32> to vector<2048xf32>
    %broadcast_in_dim3A_90 = vector.shape_cast %reduce_sum3A_89 : vector<2048xf32> to vector<2048x1xf32>
    %slice3A_91 = vector.extract_strided_slice %get3A_4 {offsets = [0, 0], sizes = [2048, 3], strides = [1, 1]} : vector<2048x8xf32> to vector<2048x3xf32>
    %mul3A_92 = vector.broadcast %broadcast_in_dim3A_90 : vector<2048x1xf32> to vector<2048x3xf32>
    %mul3A_93 = arith.mulf %mul3A_92, %slice3A_91 : vector<2048x3xf32>
    %div3A_94 = vector.broadcast %add3A_6 : vector<2048x1xf32> to vector<2048x3xf32>
    %div3A_95 = arith.divf %mul3A_93, %div3A_94 : vector<2048x3xf32>
    %broadcast_in_dim3A_96 = arith.constant 0.000000e+00 : f32
    %broadcast_in_dim3A_97 = vector.broadcast %broadcast_in_dim3A_96 : f32 to vector<2048x61xf32>
    %concatenate3A = tpu.concatenate %add3A_65, %div3A_95, %broadcast_in_dim3A_97 in 1 : vector<2048x64xf32>, vector<2048x3xf32>, vector<2048x61xf32> -> vector<2048x128xf32>
    %swap3A = arith.constant 0 : index
    %swap3A_98 = arith.constant 0 : index
    %swap3A_99 = vector.load %arg12[%swap3A, %swap3A_98] : memref<2048x128xf32, #tpu.memory_space<vmem>>, vector<2048x128xf32>
    tpu.vector_store %arg12[%swap3A, %swap3A_98], %concatenate3A {strides = array<i32>} : memref<2048x128xf32, #tpu.memory_space<vmem>>, vector<2048x128xf32>,
    return
  }
  func.func @transform_0(%arg0: i32) -> (i32, i32) {
    %c0_i32 = arith.constant 0 : i32
    %c0_i32_0 = arith.constant 0 : i32
    return %arg0, %c0_i32 : i32, i32
  }
  func.func @transform_1(%arg0: i32) -> (i32, i32) {
    %c0_i32 = arith.constant 0 : i32
    %c0_i32_0 = arith.constant 0 : i32
    return %arg0, %c0_i32 : i32, i32
  }
  func.func @transform_2(%arg0: i32) -> (i32, i32) {
    %c0_i32 = arith.constant 0 : i32
    %c0_i32_0 = arith.constant 0 : i32
    %c0_i32_1 = arith.constant 0 : i32
    return %c0_i32, %c0_i32_0 : i32, i32
  }
  func.func @transform_3(%arg0: i32) -> (i32, i32) {
    %c0_i32 = arith.constant 0 : i32
    %c0_i32_0 = arith.constant 0 : i32
    %c0_i32_1 = arith.constant 0 : i32
    return %c0_i32, %c0_i32_0 : i32, i32
  }
  func.func @transform_4(%arg0: i32) -> (i32, i32) {
    %c0_i32 = arith.constant 0 : i32
    %c0_i32_0 = arith.constant 0 : i32
    %c0_i32_1 = arith.constant 0 : i32
    return %c0_i32, %c0_i32_0 : i32, i32
  }
  func.func @transform_5(%arg0: i32) -> (i32, i32) {
    %c0_i32 = arith.constant 0 : i32
    %c0_i32_0 = arith.constant 0 : i32
    %c0_i32_1 = arith.constant 0 : i32
    return %c0_i32, %c0_i32_0 : i32, i32
  }
  func.func @transform_6(%arg0: i32) -> (i32, i32) {
    %c0_i32 = arith.constant 0 : i32
    %c0_i32_0 = arith.constant 0 : i32
    %c0_i32_1 = arith.constant 0 : i32
    return %c0_i32, %c0_i32_0 : i32, i32
  }
  func.func @transform_7(%arg0: i32) -> (i32, i32) {
    %c0_i32 = arith.constant 0 : i32
    %c0_i32_0 = arith.constant 0 : i32
    %c0_i32_1 = arith.constant 0 : i32
    return %c0_i32, %c0_i32_0 : i32, i32
  }
  func.func @transform_8(%arg0: i32) -> (i32, i32) {
    %c0_i32 = arith.constant 0 : i32
    %c0_i32_0 = arith.constant 0 : i32
    %c0_i32_1 = arith.constant 0 : i32
    return %c0_i32, %c0_i32_0 : i32, i32
  }
  func.func @transform_9(%arg0: i32) -> (i32, i32) {
    %c0_i32 = arith.constant 0 : i32
    %c0_i32_0 = arith.constant 0 : i32
    %c0_i32_1 = arith.constant 0 : i32
    return %c0_i32, %c0_i32_0 : i32, i32
  }
  func.func @transform_10(%arg0: i32) -> (i32, i32) {
    %c0_i32 = arith.constant 0 : i32
    %c0_i32_0 = arith.constant 0 : i32
    %c0_i32_1 = arith.constant 0 : i32
    return %c0_i32, %c0_i32_0 : i32, i32
  }
  func.func @transform_11(%arg0: i32) -> (i32, i32) {
    %c0_i32 = arith.constant 0 : i32
    %c0_i32_0 = arith.constant 0 : i32
    return %arg0, %c0_i32 : i32, i32
  }
}

module attributes {stable_mosaic.version = 14 : i64} {
  func.func @_tcd_body(%arg0: i32, %arg1: memref<1000x128xf32, #tpu.memory_space<vmem>>, %arg2: memref<1x1000x128xf32, #tpu.memory_space<vmem>>, %arg3: memref<1x1000x128xf32, #tpu.memory_space<vmem>>, %arg4: memref<1000x3xf32, #tpu.memory_space<vmem>>, %arg5: memref<128x64xf32, #tpu.memory_space<vmem>>, %arg6: memref<64x64xf32, #tpu.memory_space<vmem>>, %arg7: memref<1x64xf32, #tpu.memory_space<vmem>>, %arg8: memref<64x128xf32, #tpu.memory_space<vmem>>, %arg9: memref<1x128xf32, #tpu.memory_space<vmem>>, %arg10: memref<1x128xf32, #tpu.memory_space<vmem>>, %arg11: memref<1x128xf32, #tpu.memory_space<vmem>>, %arg12: memref<1x1xf32, #tpu.memory_space<vmem>>, %arg13: memref<1x1xf32, #tpu.memory_space<vmem>>, %arg14: memref<1000x128xf32, #tpu.memory_space<vmem>>, %arg15: memref<1000x3xf32, #tpu.memory_space<vmem>>) attributes {dimension_semantics = [#tpu.dimension_semantics<arbitrary>], iteration_bounds = array<i64: 10>, scalar_prefetch = 0 : i64, scratch_operands = 0 : i64, tpu.core_type = #tpu.core_type<tc>, window_params = [{transform_indices = @transform_0, window_bounds = array<i64: 1000, 128>}, {transform_indices = @transform_1, window_bounds = array<i64: 1, 1000, 128>}, {transform_indices = @transform_2, window_bounds = array<i64: 1, 1000, 128>}, {transform_indices = @transform_3, window_bounds = array<i64: 1000, 3>}, {pipeline_mode = #tpu.pipeline_mode<synchronous>, transform_indices = @transform_4, window_bounds = array<i64: 128, 64>}, {pipeline_mode = #tpu.pipeline_mode<synchronous>, transform_indices = @transform_5, window_bounds = array<i64: 64, 64>}, {pipeline_mode = #tpu.pipeline_mode<synchronous>, transform_indices = @transform_6, window_bounds = array<i64: 1, 64>}, {pipeline_mode = #tpu.pipeline_mode<synchronous>, transform_indices = @transform_7, window_bounds = array<i64: 64, 128>}, {pipeline_mode = #tpu.pipeline_mode<synchronous>, transform_indices = @transform_8, window_bounds = array<i64: 1, 128>}, {pipeline_mode = #tpu.pipeline_mode<synchronous>, transform_indices = @transform_9, window_bounds = array<i64: 1, 128>}, {pipeline_mode = #tpu.pipeline_mode<synchronous>, transform_indices = @transform_10, window_bounds = array<i64: 1, 128>}, {pipeline_mode = #tpu.pipeline_mode<synchronous>, transform_indices = @transform_11, window_bounds = array<i64: 1, 1>}, {pipeline_mode = #tpu.pipeline_mode<synchronous>, transform_indices = @transform_12, window_bounds = array<i64: 1, 1>}, {transform_indices = @transform_13, window_bounds = array<i64: 1000, 128>}, {transform_indices = @transform_14, window_bounds = array<i64: 1000, 3>}]} {
    %get3A = arith.constant 0 : index
    %get3A_0 = arith.constant 0 : index
    %get3A_1 = vector.load %arg1[%get3A, %get3A_0] : memref<1000x128xf32, #tpu.memory_space<vmem>>, vector<1000x128xf32>
    %get3A_2 = arith.constant 0 : index
    %get3A_3 = arith.constant 0 : index
    %get3A_4 = arith.constant 0 : index
    %get3A_5 = vector.load %arg2[%get3A_2, %get3A_3, %get3A_4] : memref<1x1000x128xf32, #tpu.memory_space<vmem>>, vector<1x1000x128xf32>
    %get3A_6 = vector.shape_cast %get3A_5 : vector<1x1000x128xf32> to vector<1000x128xf32>
    %get3A_7 = arith.constant 0 : index
    %get3A_8 = arith.constant 0 : index
    %get3A_9 = arith.constant 0 : index
    %get3A_10 = vector.load %arg3[%get3A_7, %get3A_8, %get3A_9] : memref<1x1000x128xf32, #tpu.memory_space<vmem>>, vector<1x1000x128xf32>
    %get3A_11 = vector.shape_cast %get3A_10 : vector<1x1000x128xf32> to vector<1000x128xf32>
    %add3A = arith.addf %get3A_6, %get3A_11 : vector<1000x128xf32>
    %slice3A = vector.extract_strided_slice %add3A {offsets = [0, 0], sizes = [1000, 64], strides = [1, 1]} : vector<1000x128xf32> to vector<1000x64xf32>
    %get3A_12 = arith.constant 0 : index
    %get3A_13 = arith.constant 0 : index
    %get3A_14 = vector.load %arg5[%get3A_12, %get3A_13] : memref<128x64xf32, #tpu.memory_space<vmem>>, vector<128x64xf32>
    %dot_general3A = arith.constant dense<0.000000e+00> : vector<1000x64xf32>
    %dot_general3A_15 = tpu.matmul %get3A_1, %get3A_14, %dot_general3A {dimension_numbers = #tpu.dot_dimension_numbers<[1], [0], [0], [1], [0, 0, 1, 1], [], []>, transpose_lhs_hint = false} : vector<1000x128xf32>, vector<128x64xf32>, vector<1000x64xf32> -> vector<1000x64xf32>
    %get3A_16 = arith.constant 0 : index
    %get3A_17 = arith.constant 0 : index
    %get3A_18 = vector.load %arg6[%get3A_16, %get3A_17] : memref<64x64xf32, #tpu.memory_space<vmem>>, vector<64x64xf32>
    %dot_general3A_19 = arith.constant dense<0.000000e+00> : vector<1000x64xf32>
    %dot_general3A_20 = tpu.matmul %slice3A, %get3A_18, %dot_general3A_19 {dimension_numbers = #tpu.dot_dimension_numbers<[1], [0], [0], [1], [0, 0, 1, 1], [], []>, transpose_lhs_hint = false} : vector<1000x64xf32>, vector<64x64xf32>, vector<1000x64xf32> -> vector<1000x64xf32>
    %add3A_21 = arith.addf %dot_general3A_15, %dot_general3A_20 : vector<1000x64xf32>
    %get3A_22 = arith.constant 0 : index
    %get3A_23 = arith.constant 0 : index
    %get3A_24 = vector.load %arg7[%get3A_22, %get3A_23] : memref<1x64xf32, #tpu.memory_space<vmem>>, vector<1x64xf32>
    %add3A_25 = vector.broadcast %get3A_24 : vector<1x64xf32> to vector<1000x64xf32>
    %add3A_26 = arith.addf %add3A_21, %add3A_25 : vector<1000x64xf32>
    %jit3A = arith.constant 1.000000e-01 : f32
    %ge3A = arith.constant 0.000000e+00 : f32
    %ge3A_27 = vector.broadcast %ge3A : f32 to vector<1000x64xf32>
    %ge3A_28 = arith.cmpf oge, %add3A_26, %ge3A_27 : vector<1000x64xf32>
    %mul3A = vector.broadcast %jit3A : f32 to vector<1000x64xf32>
    %mul3A_29 = arith.mulf %mul3A, %add3A_26 : vector<1000x64xf32>
    %select_n3A = arith.select %ge3A_28, %add3A_26, %mul3A_29 : vector<1000x64xi1>, vector<1000x64xf32>
    %get3A_30 = arith.constant 0 : index
    %get3A_31 = arith.constant 0 : index
    %get3A_32 = vector.load %arg8[%get3A_30, %get3A_31] : memref<64x128xf32, #tpu.memory_space<vmem>>, vector<64x128xf32>
    %dot_general3A_33 = arith.constant dense<0.000000e+00> : vector<1000x128xf32>
    %dot_general3A_34 = tpu.matmul %select_n3A, %get3A_32, %dot_general3A_33 {dimension_numbers = #tpu.dot_dimension_numbers<[1], [0], [0], [1], [0, 0, 1, 1], [], []>, transpose_lhs_hint = false} : vector<1000x64xf32>, vector<64x128xf32>, vector<1000x128xf32> -> vector<1000x128xf32>
    %get3A_35 = arith.constant 0 : index
    %get3A_36 = arith.constant 0 : index
    %get3A_37 = vector.load %arg9[%get3A_35, %get3A_36] : memref<1x128xf32, #tpu.memory_space<vmem>>, vector<1x128xf32>
    %add3A_38 = vector.broadcast %get3A_37 : vector<1x128xf32> to vector<1000x128xf32>
    %add3A_39 = arith.addf %dot_general3A_34, %add3A_38 : vector<1000x128xf32>
    %reduce_sum3A = arith.constant dense<0.000000e+00> : vector<1000xf32>
    %reduce_sum3A_40 = vector.multi_reduction <add>, %add3A_39, %reduce_sum3A [1] : vector<1000x128xf32> to vector<1000xf32>
    %broadcast_in_dim3A = vector.shape_cast %reduce_sum3A_40 : vector<1000xf32> to vector<1000x1xf32>
    %div3A = arith.constant 1.280000e+02 : f32
    %div3A_41 = vector.broadcast %div3A : f32 to vector<1000x1xf32>
    %div3A_42 = arith.divf %broadcast_in_dim3A, %div3A_41 : vector<1000x1xf32>
    %sub3A = vector.broadcast %div3A_42 : vector<1000x1xf32> to vector<1000x128xf32>
    %sub3A_43 = arith.subf %add3A_39, %sub3A : vector<1000x128xf32>
    %integer_pow3A = arith.mulf %sub3A_43, %sub3A_43 : vector<1000x128xf32>
    %reduce_sum3A_44 = arith.constant dense<0.000000e+00> : vector<1000xf32>
    %reduce_sum3A_45 = vector.multi_reduction <add>, %integer_pow3A, %reduce_sum3A_44 [1] : vector<1000x128xf32> to vector<1000xf32>
    %broadcast_in_dim3A_46 = vector.shape_cast %reduce_sum3A_45 : vector<1000xf32> to vector<1000x1xf32>
    %div3A_47 = arith.constant 1.280000e+02 : f32
    %div3A_48 = vector.broadcast %div3A_47 : f32 to vector<1000x1xf32>
    %div3A_49 = arith.divf %broadcast_in_dim3A_46, %div3A_48 : vector<1000x1xf32>
    %sub3A_50 = vector.broadcast %div3A_42 : vector<1000x1xf32> to vector<1000x128xf32>
    %sub3A_51 = arith.subf %add3A_39, %sub3A_50 : vector<1000x128xf32>
    %add3A_52 = arith.constant 9.99999974E-6 : f32
    %add3A_53 = vector.broadcast %add3A_52 : f32 to vector<1000x1xf32>
    %add3A_54 = arith.addf %div3A_49, %add3A_53 : vector<1000x1xf32>
    %sqrt3A = math.sqrt %add3A_54 : vector<1000x1xf32>
    %div3A_55 = vector.broadcast %sqrt3A : vector<1000x1xf32> to vector<1000x128xf32>
    %div3A_56 = arith.divf %sub3A_51, %div3A_55 : vector<1000x128xf32>
    %get3A_57 = arith.constant 0 : index
    %get3A_58 = arith.constant 0 : index
    %get3A_59 = vector.load %arg10[%get3A_57, %get3A_58] : memref<1x128xf32, #tpu.memory_space<vmem>>, vector<1x128xf32>
    %mul3A_60 = vector.broadcast %get3A_59 : vector<1x128xf32> to vector<1000x128xf32>
    %mul3A_61 = arith.mulf %div3A_56, %mul3A_60 : vector<1000x128xf32>
    %get3A_62 = arith.constant 0 : index
    %get3A_63 = arith.constant 0 : index
    %get3A_64 = vector.load %arg11[%get3A_62, %get3A_63] : memref<1x128xf32, #tpu.memory_space<vmem>>, vector<1x128xf32>
    %add3A_65 = vector.broadcast %get3A_64 : vector<1x128xf32> to vector<1000x128xf32>
    %add3A_66 = arith.addf %mul3A_61, %add3A_65 : vector<1000x128xf32>
    %get3A_67 = arith.constant 0 : index
    %get3A_68 = arith.constant 0 : index
    %get3A_69 = vector.load %arg13[%get3A_67, %get3A_68] : memref<1x1xf32, #tpu.memory_space<vmem>>, vector<1x1xf32>
    %get3A_70 = vector.extract %get3A_69[0, 0] : f32 from vector<1x1xf32>
    %mul3A_71 = vector.broadcast %get3A_70 : f32 to vector<1000x128xf32>
    %mul3A_72 = arith.mulf %mul3A_71, %add3A_66 : vector<1000x128xf32>
    %add3A_73 = arith.addf %get3A_1, %mul3A_72 : vector<1000x128xf32>
    %swap3A = arith.constant 0 : index
    %swap3A_74 = arith.constant 0 : index
    %swap3A_75 = vector.load %arg14[%swap3A, %swap3A_74] : memref<1000x128xf32, #tpu.memory_space<vmem>>, vector<1000x128xf32>
    tpu.vector_store %arg14[%swap3A, %swap3A_74], %add3A_73 {strides = array<i32>} : memref<1000x128xf32, #tpu.memory_space<vmem>>, vector<1000x128xf32>,
    %get3A_76 = arith.constant 0 : index
    %get3A_77 = arith.constant 0 : index
    %get3A_78 = vector.load %arg4[%get3A_76, %get3A_77] : memref<1000x3xf32, #tpu.memory_space<vmem>>, vector<1000x3xf32>
    %get3A_79 = arith.constant 0 : index
    %get3A_80 = arith.constant 0 : index
    %get3A_81 = vector.load %arg12[%get3A_79, %get3A_80] : memref<1x1xf32, #tpu.memory_space<vmem>>, vector<1x1xf32>
    %get3A_82 = vector.extract %get3A_81[0, 0] : f32 from vector<1x1xf32>
    %slice3A_83 = vector.extract_strided_slice %add3A {offsets = [0, 64], sizes = [1000, 3], strides = [1, 1]} : vector<1000x128xf32> to vector<1000x3xf32>
    %mul3A_84 = vector.broadcast %get3A_82 : f32 to vector<1000x3xf32>
    %mul3A_85 = arith.mulf %mul3A_84, %slice3A_83 : vector<1000x3xf32>
    %add3A_86 = arith.addf %get3A_78, %mul3A_85 : vector<1000x3xf32>
    %swap3A_87 = arith.constant 0 : index
    %swap3A_88 = arith.constant 0 : index
    %swap3A_89 = vector.load %arg15[%swap3A_87, %swap3A_88] : memref<1000x3xf32, #tpu.memory_space<vmem>>, vector<1000x3xf32>
    tpu.vector_store %arg15[%swap3A_87, %swap3A_88], %add3A_86 {strides = array<i32>} : memref<1000x3xf32, #tpu.memory_space<vmem>>, vector<1000x3xf32>,
    return
  }
  func.func @transform_0(%arg0: i32) -> (i32, i32) {
    %c0_i32 = arith.constant 0 : i32
    %c0_i32_0 = arith.constant 0 : i32
    return %arg0, %c0_i32 : i32, i32
  }
  func.func @transform_1(%arg0: i32) -> (i32, i32, i32) {
    %c0_i32 = arith.constant 0 : i32
    %c0_i32_0 = arith.constant 0 : i32
    %c0_i32_1 = arith.constant 0 : i32
    return %c0_i32, %arg0, %c0_i32_0 : i32, i32, i32
  }
  func.func @transform_2(%arg0: i32) -> (i32, i32, i32) {
    %c1_i32 = arith.constant 1 : i32
    %c0_i32 = arith.constant 0 : i32
    %c0_i32_0 = arith.constant 0 : i32
    return %c1_i32, %arg0, %c0_i32 : i32, i32, i32
  }
  func.func @transform_3(%arg0: i32) -> (i32, i32) {
    %c0_i32 = arith.constant 0 : i32
    %c0_i32_0 = arith.constant 0 : i32
    return %arg0, %c0_i32 : i32, i32
  }
  func.func @transform_4(%arg0: i32) -> (i32, i32) {
    %c0_i32 = arith.constant 0 : i32
    %c0_i32_0 = arith.constant 0 : i32
    %c0_i32_1 = arith.constant 0 : i32
    return %c0_i32, %c0_i32_0 : i32, i32
  }
  func.func @transform_5(%arg0: i32) -> (i32, i32) {
    %c0_i32 = arith.constant 0 : i32
    %c0_i32_0 = arith.constant 0 : i32
    %c0_i32_1 = arith.constant 0 : i32
    return %c0_i32, %c0_i32_0 : i32, i32
  }
  func.func @transform_6(%arg0: i32) -> (i32, i32) {
    %c0_i32 = arith.constant 0 : i32
    %c0_i32_0 = arith.constant 0 : i32
    %c0_i32_1 = arith.constant 0 : i32
    return %c0_i32, %c0_i32_0 : i32, i32
  }
  func.func @transform_7(%arg0: i32) -> (i32, i32) {
    %c0_i32 = arith.constant 0 : i32
    %c0_i32_0 = arith.constant 0 : i32
    %c0_i32_1 = arith.constant 0 : i32
    return %c0_i32, %c0_i32_0 : i32, i32
  }
  func.func @transform_8(%arg0: i32) -> (i32, i32) {
    %c0_i32 = arith.constant 0 : i32
    %c0_i32_0 = arith.constant 0 : i32
    %c0_i32_1 = arith.constant 0 : i32
    return %c0_i32, %c0_i32_0 : i32, i32
  }
  func.func @transform_9(%arg0: i32) -> (i32, i32) {
    %c0_i32 = arith.constant 0 : i32
    %c0_i32_0 = arith.constant 0 : i32
    %c0_i32_1 = arith.constant 0 : i32
    return %c0_i32, %c0_i32_0 : i32, i32
  }
  func.func @transform_10(%arg0: i32) -> (i32, i32) {
    %c0_i32 = arith.constant 0 : i32
    %c0_i32_0 = arith.constant 0 : i32
    %c0_i32_1 = arith.constant 0 : i32
    return %c0_i32, %c0_i32_0 : i32, i32
  }
  func.func @transform_11(%arg0: i32) -> (i32, i32) {
    %c0_i32 = arith.constant 0 : i32
    %c0_i32_0 = arith.constant 0 : i32
    %c0_i32_1 = arith.constant 0 : i32
    return %c0_i32, %c0_i32_0 : i32, i32
  }
  func.func @transform_12(%arg0: i32) -> (i32, i32) {
    %c0_i32 = arith.constant 0 : i32
    %c0_i32_0 = arith.constant 0 : i32
    %c0_i32_1 = arith.constant 0 : i32
    return %c0_i32, %c0_i32_0 : i32, i32
  }
  func.func @transform_13(%arg0: i32) -> (i32, i32) {
    %c0_i32 = arith.constant 0 : i32
    %c0_i32_0 = arith.constant 0 : i32
    return %arg0, %c0_i32 : i32, i32
  }
  func.func @transform_14(%arg0: i32) -> (i32, i32) {
    %c0_i32 = arith.constant 0 : i32
    %c0_i32_0 = arith.constant 0 : i32
    return %arg0, %c0_i32 : i32, i32
  }
}

</mosaic_0001>

<sc_bundles>
// kernel: kernel.10.cloned.1.call-start
scs
__scs_entry_jumppad:
0x0: {  	(pc) =	sbr.rel $0x88, $3  }
0x1: {  	(tag) =	ssettag $0x0;
	lr =	simm.s32 $0x1  }
0x2: {  	[smem:$0x3F8D] =	sst lr;
	_ =	strace $0xD0000000  }
0x3: {  	_ = 	snop  }
0x4: {  	_ = 	snop  }
0x5: {  	_ = 	snop  }
0x6: {  	_ = 	snop  }
0x7: {  	_ = 	snop  }
__scs_overlays_trampoline_lowered:
0x8: {  	[smem:$0x3F9C] =	sst s0  }
0x9: {  	[smem:$0x3F9D] =	sst s1  }
0xa: {  	[smem:$0x3F9E] =	sst s2  }
0xb: {  	[smem:$0x3F9F] =	sst s3  }
0xc: {  	[smem:$0x3FA0] =	sst s4  }
0xd: {  	[smem:$0x3FA1] =	sst s5  }
0xe: {  	[smem:$0x3FA2] =	sst s6  }
0xf: {  	[smem:$0x3FA3] =	sst s7  }
0x10: {  	[smem:$0x3FA4] =	sst s8  }
0x11: {  	[smem:$0x3FA5] =	sst s9;
	s0 =	simm.s32 @!p0 $0x0  }
0x12: {  	s1 =	sld [smem:$0x3F8B];
	s0 =	simm.s32 @p0 $0x1  }
0x13: {  	[smem:$0x3FA6] =	sst s0;
	s0 =	simm.s32 @!p1 $0x0  }
0x14: {  	s2 =	sld [smem:$0x3F8A];
	s0 =	simm.s32 @p1 $0x1  }
0x15: {  	[smem:$0x3FA7] =	sst s0;
	s0 =	simm.s32 @!p2 $0x0  }
0x16: {  	s3 =	sld [smem:$0x3FDB];
	s0 =	simm.s32 @p2 $0x1  }
0x17: {  	s4 =	simm.s32 $0x1BF5;
	[smem:$0x3FA9] =	sst s0  }
0x18: {  	s0 =	sld [smem:$0x3F8C];
	_ =	swait.ge [sflag:s4], $0x0  }
0x19: {  	s7 =	sld [smem:$0x3F8D]  }
0x1a: {  	s8 =	sadd.s32 $0xFFFFE003, lr  }
0x1b: {  	s9 =	sadd.s32 $0xFFFFFEF7, lr;
	s5 =	simm.s32 $0xFFFFFFFF;
	p2 =	slt.u32 s8, $0xFFFFF086  }
0x1c: {  	p1 =	slt.u32 s9, $0xF7A;
	s5 =	simm.s32 @!p2 $0x0  }
0x1d: {  	s5 =	simm.s32 @p1 $0x1;
	p0 =	seq.s32 s7, s2  }
0x1e: {  	s7 =	smul.u32 @!p0 $0xF7A, s2;
	p2 =	seq.s32 @!p0 s5, $0x0  }
0x1f: {  	s9 =	smul.u32 $0xF7A, s1;
	s8 =	simm.s32 @!p0 $0x1BF5;
	p2 =	por !p2, p0  }
0x20: {  	[sflag:s8] =	ssyncset.s32 @!p0 $0xFFFFF086;
	s6 =	sadd.s32 @!p0 s3, s7;
	s7 =	simm.s32 @!p0 $0x108  }
0x21: {  	s3 =	sadd.s32 s3, s9;
	s6 =	sadd.s32 @!p0 $0x88, s6;
	s7 =	simm.s32 @p2 $0x1082  }
0x22: {  	[simem:s7], [sflag:s8] =	dma.local @!p0 [hbm:s6], $0xF7A  }
0x23: {  	s9 =	sor.u32 $0xD0000000, s2;
	s6 =	simm.s32 $0x108;
	_ =	swait.ge @!p0 [sflag:s8], $0x0  }
0x24: {  	s3 =	sadd.s32 $0x88, s3;
	s6 =	simm.s32 @!p1 $0x1082;
	[sflag:s4] =	ssyncset.s32 $0xFFFFF086  }
0x25: {  	[simem:s6], [sflag:s4] =	dma.local [hbm:s3], $0xF7A  }
0x26: {  	[smem:$0x3F8D] =	sst s1;
	(tag) =	ssettag s2;
	_ =	strace s9  }
0x27: {  	s1 =	sld [smem:$0x3F9D]  }
0x28: {  	s2 =	sld [smem:$0x3F9E]  }
0x29: {  	s4 =	sld [smem:$0x3FA0]  }
0x2a: {  	p0 =	seq.s32 s5, $0x0;
	s5 =	sld [smem:$0x3FA1]  }
0x2b: {  	s6 =	sld [smem:$0x3FA2]  }
0x2c: {  	s7 =	sld [smem:$0x3FA3]  }
0x2d: {  	s3 =	simm.s32 $0x108;
	s8 =	sld [smem:$0x3FA4]  }
0x2e: {  	s3 =	simm.s32 @!p0 $0x1082;
	s9 =	sld [smem:$0x3FA5]  }
0x2f: {  	lr =	sadd.s32 s0, s3;
	s0 =	sld [smem:$0x3F9C]  }
0x30: {  	s3 =	sld [smem:$0x3F9F]  }
0x31: {  	[smem:$0x3FA8] =	sst s10  }
0x32: {  	s10 =	sld [smem:$0x3FA6];
	_ =	sdelay $0x3  }
0x33: {  	p0 =	seq.s32 s10, $0x1;
	s10 =	sld [smem:$0x3FA8];
	_ =	sdelay $0x3  }
0x34: {  	[smem:$0x3FA8] =	sst s10  }
0x35: {  	s10 =	sld [smem:$0x3FA7];
	_ =	sdelay $0x3  }
0x36: {  	p1 =	seq.s32 s10, $0x1;
	s10 =	sld [smem:$0x3FA8];
	_ =	sdelay $0x3  }
0x37: {  	[smem:$0x3FA8] =	sst s10  }
0x38: {  	s10 =	sld [smem:$0x3FA9]  }
0x39: {  	_ = 	snop;
	(pc) =	sbr.ind lr, $3  }
0x3a: {  	_ = 	snop  }
0x3b: {  	_ = 	snop  }
0x3c: {  	p2 =	seq.s32 s10, $0x1;
	s10 =	sld [smem:$0x3FA8]  }
0x3d: {  	_ =	shalt  }
0x3e: {  	_ =	shalt  }
0x3f: {  	_ =	shalt  }
0x40: {  	_ =	shalt  }
0x41: {  	_ =	shalt  }
0x42: {  	_ =	shalt  }
0x43: {  	_ =	shalt  }
0x44: {  	_ =	shalt  }
0x45: {  	_ =	shalt  }
0x46: {  	_ =	shalt  }
0x47: {  	_ =	shalt  }
0x48: {  	_ =	shalt  }
0x49: {  	_ =	shalt  }
0x4a: {  	_ =	shalt  }
0x4b: {  	_ =	shalt  }
0x4c: {  	_ =	shalt  }
0x4d: {  	_ =	shalt  }
0x4e: {  	_ =	shalt  }
0x4f: {  	_ =	shalt  }
0x50: {  	_ =	shalt  }
0x51: {  	_ =	shalt  }
0x52: {  	_ =	shalt  }
0x53: {  	_ =	shalt  }
0x54: {  	_ =	shalt  }
0x55: {  	_ =	shalt  }
0x56: {  	_ =	shalt  }
0x57: {  	_ =	shalt  }
0x58: {  	_ =	shalt  }
0x59: {  	_ =	shalt  }
0x5a: {  	_ =	shalt  }
0x5b: {  	_ =	shalt  }
0x5c: {  	_ =	shalt  }
0x5d: {  	_ =	shalt  }
0x5e: {  	_ =	shalt  }
0x5f: {  	_ =	shalt  }
0x60: {  	_ =	shalt  }
0x61: {  	_ =	shalt  }
0x62: {  	_ =	shalt  }
0x63: {  	_ =	shalt  }
0x64: {  	_ =	shalt  }
0x65: {  	_ =	shalt  }
0x66: {  	_ =	shalt  }
0x67: {  	_ =	shalt  }
0x68: {  	_ =	shalt  }
0x69: {  	_ =	shalt  }
0x6a: {  	_ =	shalt  }
0x6b: {  	_ =	shalt  }
0x6c: {  	_ =	shalt  }
0x6d: {  	_ =	shalt  }
0x6e: {  	_ =	shalt  }
0x6f: {  	_ =	shalt  }
0x70: {  	_ =	shalt  }
0x71: {  	_ =	shalt  }
0x72: {  	_ =	shalt  }
0x73: {  	_ =	shalt  }
0x74: {  	_ =	shalt  }
0x75: {  	_ =	shalt  }
0x76: {  	_ =	shalt  }
0x77: {  	_ =	shalt  }
0x78: {  	_ =	shalt  }
0x79: {  	_ =	shalt  }
0x7a: {  	_ =	shalt  }
0x7b: {  	_ =	shalt  }
0x7c: {  	_ =	shalt  }
0x7d: {  	_ =	shalt  }
0x7e: {  	_ =	shalt  }
0x7f: {  	_ =	shalt  }
0x80: {  	_ =	shalt  }
0x81: {  	_ =	shalt  }
0x82: {  	_ =	shalt  }
0x83: {  	_ =	shalt  }
0x84: {  	_ =	shalt  }
0x85: {  	_ =	shalt  }
0x86: {  	_ =	shalt  }
0x87: {  	_ =	shalt  }
.Lfunc_end0:
.L_simem_size_0:
called_computation.1_lowered:
.L_overlay_start_0:
0x88: {  	s2 =	sld [smem:$0x3FD9]  }
0x89: {  	s3 =	sld [smem:$0x3FFE];
	_ =	sdelay $0x1  }
0x8a: {  	s1 =	srdreg.scid  }
0x8b: {  	s0 =	sand.u32 $0x1, s1  }
0x8c: {  	s16 =	sshll.u32 s0, $0xA;
	s2 =	sadd.s32 s3, s2  }
0x8d: {  	s2 =	sadd.s32 s2, s16  }
0x8e: {  	[smem:$0x3FB4] =	sst s2  }
0x8f: {  	_ = 	snop  }
0x90: {  	(tm) =	ssettm $0x1  }
0x91: {  	s17 =	sld [smem:$0x3FFB];
	_ =	sdelay $0x3  }
0x92: {  	_ =	strace s17  }
0x93: {  	s2 =	sld [smem:$0x3FFC];
	_ =	sdelay $0x3  }
0x94: {  	_ =	strace s2  }
0x95: {  	s2 =	sld [smem:$0x3FFD];
	_ =	sdelay $0x3  }
0x96: {  	_ =	strace s2  }
0x97: {  	_ =	strace $0x8FFFFFFF  }
0x98: {  	s18 =	sld [smem:$0x3FDB];
	_ =	sdelay $0x1  }
0x99: {  	s19 =	simm.s32 $_scs_section_size  }
0x9a: {  	s4 =	simm.s32 $_size__tile_overlayer_lowered;
	s5 =	simm.s32 $_tile_overlayer_lowered  }
0x9b: {  	s22 =	simm.s32 $0x1BFF;
	s21 =	sshll.u32 s5, $0x1;
	s2 =	sadd.s32 s19, s18  }
0x9c: {  	s6 =	simm.s32 $0x0;
	s20 =	sshll.u32 s4, $0x1;
	s4 =	sadd.s32 s21, s2  }
0x9d: {  	[timem:s6], [sflag:s22] =	dma.local [hbm:s4], s20  }
0x9e: {  	_ =	swait.ge [sflag:s22], s20  }
0x9f: {  	s3 =	ssub.s32 $0x0, s20;
	[sflag:s22] =	ssyncset.done $0x0  }
0xa0: {  	[sflag:s22] =	ssyncadd.s32 s3;
	_ =	sdelay $0x1  }
0xa1: {  	s23 =	simm.s32 $0x1B8B  }
0xa2: {  	_ =	swait.ge [sflag:s23], $0x1  }
0xa3: {  	[sflag:s23] =	ssyncset.done $0x0  }
0xa4: {  	s25 =	simm.s32 $0x1B8E;
	s24 =	sld [smem:$0x3FFE];
	[sflag:s23] =	ssyncadd.s32 $0xFFFFFFFF  }
0xa5: {  	s26 =	simm.s32 $execute0_lowered;
	[smem:$0x3FD2] =	sst s25  }
0xa6: {  	s4 =	sshll.u32 s26, $0x1;
	_ =	strace $0x80000049;
	[dreg:$0x1] =	wrdreg $0xFFFFFFFF  }
0xa7: {  	s28 =	simm.s32 $_size_execute0_lowered;
	s2 =	sadd.s32 s2, s4;
	[dreg:$0x0] =	wrdreg $0x0  }
0xa8: {  	s4 =	sshll.u32 s28, $0x1;
	[dreg:$0x2] =	wrdreg s2  }
0xa9: {  	[dreg:$0x3] =	wrdreg s4  }
0xaa: {  	[dreg:$0x4] =	wrdreg $0xC0  }
0xab: {  	_ =	task [dreg:s6], $0x5FFFF  }
0xac: {  	[dreg:$0x1] =	wrdreg $0xFFFFFFFF  }
0xad: {  	[dreg:$0x0] =	wrdreg $0x60  }
0xae: {  	[dreg:$0x2] =	wrdreg s24  }
0xaf: {  	[dreg:$0x3] =	wrdreg $0x91000  }
0xb0: {  	[dreg:$0x4] =	wrdreg $0x9  }
0xb1: {  	_ =	task.clear_ibuf [dreg:s6], $0x5FFFF;
	_ =	strace $0x90000049  }
0xb2: {  	s29 =	simm.s32 $0x9;
	_ =	strace $0x8000004B  }
0xb3: {  	_ =	swait.ge [sflag:s29], $0x1  }
0xb4: {  	[sflag:s29] =	ssyncadd.s32 $0xFFFFFFFF  }
0xb5: {  	_ =	strace $0x9000004B  }
0xb6: {  	_ =	sfence  }
0xb7: {  	s30 =	sld [smem:$0x0];
	_ =	sdelay $0x2  }
0xb8: {  	s31 =	sshll.u32 s1, $0xD;
	s1 =	sshrl.u32 s1, $0x2  }
0xb9: {  	s3 =	sand.u32 $0x4000, s31;
	s1 =	sadd.s32 s1, s30  }
0xba: {  	s0 =	sor.u32 s3, s0;
	s1 =	sshll.u32 s1, $0x11  }
0xbb: {  	s0 =	sor.u32 s1, s0  }
0xbc: {  	s0 =	sadd.s32 $0x8F2B, s0  }
0xbd: {  	[sflag:s0] =	ssyncadd.remote.s32 $0x1  }
0xbe: {  	_ =	sfence.sel $0xFFFF  }
0xbf: {  	[dreg:$0x0] =	wrdreg $0xFFFFFFFF;
	(pc) =	sbr.abs _section_cstart, $3  }
0xc0: {  	[dreg:$0x1] =	wrdreg $0xFFFFFFFF  }
0xc1: {  	_ =	task.clear_ibuf [dreg:s6], $0x2FFFF;
	_ =	strace $0x9FFFFFFF  }
0xc2: {  	(tm) =	ssettm $0x7FFFFFFF  }
0xc3: {  	_ =	shalt  }
tec
execute0_lowered:
.L_overlay_start_1:
0x0: {  	(tag) =	ssettag $0x1  }
0x1: {  	s9 =	stileid.u32  }
0x2: {  	s0 =	srdreg.scid;
	s5 =	smul.u32 $0x2800, s9  }
0x3: {  	s4 =	rddreg [dreg:$0x0];
	s7 =	smul.u32 $0x14000, s9  }
0x4: {  	s2 =	rddreg [dreg:$0x1];
	s8 =	smul.u32 $0x50000, s9  }
0x5: {  	s3 =	simm.s32 $0x0;
	s0 =	sand.u32 $0x1, s0;
	s26 =	smul.u32 $0x28000, s9  }
0x6: {  	s29 =	simm.s32 $0x8100;
	s30 =	simm.s32 $0x1;
	s1 =	smul.u32 $0x28000, s0  }
0x7: {  	s31 =	simm.s32 $0x100;
	[smem:$0x7FF] =	sst s3;
	s6 =	smul.u32 $0x280000, s0  }
0x8: {  	s18 =	smul.u32 $0x140000, s0;
	_ =	strace $0x8000004A;
	s0 =	ssub.s32 $0x2, s0  }
0x9: {  	s8 =	sshrl.u32 s8, $0x2;
	s19 =	sshrl.u32 s0, $0x1;
	s1 =	sadd.s32 s5, s1  }
0xa: {  	s6 =	sadd.s32 s6, s4;
	s5 =	sadd.s32 s7, s18;
	s8 =	sadd.s32 s8, s2  }
0xb: {  	s0 =	ssub.s32 s0, s19;
	s1 =	sshrl.u32 s1, $0x3;
	s5 =	sshrl.u32 s5, $0x3  }
0xc: {  	s20 =	sadd.s32 $0x1000, s8;
	s21 =	sadd.s32 $0x2000, s8;
	s22 =	sadd.s32 $0x3000, s8  }
0xd: {  	s23 =	sadd.s32 $0x4000, s8;
	s24 =	sadd.s32 $0x5000, s8;
	s25 =	sadd.s32 $0x6000, s8  }
0xe: {  	s11 =	sadd.s32 $0x7000, s8;
	s12 =	sadd.s32 $0x8000, s8;
	s13 =	sadd.s32 $0x9000, s8  }
0xf: {  	s14 =	sadd.s32 $0xA000, s8;
	s15 =	sadd.s32 $0xB000, s8;
	[dreg:$0x3] =	wrdreg s20  }
0x10: {  	s16 =	sadd.s32 $0xC000, s8;
	s17 =	sadd.s32 $0xD000, s8;
	[dreg:$0x4] =	wrdreg s21  }
0x11: {  	s18 =	sadd.s32 $0xE000, s8;
	s19 =	sadd.s32 $0xF000, s8;
	[dreg:$0x5] =	wrdreg s22  }
0x12: {  	s6 =	sadd.s32 s26, s6;
	s1 =	sadd.s32 s1, s4;
	[dreg:$0x6] =	wrdreg s23  }
0x13: {  	s5 =	sadd.s32 s5, s4;
	s4 =	sadd.s32 s7, s2;
	[dreg:$0x7] =	wrdreg s24  }
0x14: {  	[dreg:$0x8] =	wrdreg s25;
	s20 =	sadd.s32 $0x10000, s8;
	s21 =	sadd.s32 $0x11000, s8  }
0x15: {  	s22 =	sadd.s32 $0x12000, s8;
	s23 =	sadd.s32 $0x13000, s8;
	s25 =	smax.u32 s0, $0x1  }
0x16: {  	s26 =	sadd.s32 $0xCFCC00, s6;
	s0 =	simm.s32 $0x4100;
	s24 =	sadd.s32 $0x21800, s5  }
0x17: {  	v0 =	vimm.f32 $0.0e+00;
	s28 =	sadd.s32 $0x17800, s1;
	s1 =	simm.s32 $0x80;
	s5 =	simm.s32 $0x0  }
.LBB2_1:
0x18: {  	s6 =	simm.s32 $0x0;
	s7 =	simm.s32 $0x200  }
.LBB2_2:
0x19: {  	p0 =	sne.s32 s7, $0x3E00;
	[tilespmem:s6+$0x8170] =	vst v0  }
0x1a: {  	[tilespmem:s6+$0x8100] =	vst v0  }
0x1b: {  	[tilespmem:s6+$0x8110] =	vst v0  }
.Ltmp0:
0x1c: {  	[tilespmem:s6+$0x8120] =	vst v0;
	(pc) =	sbr.rel @p0 .LBB2_2-.Ltmp0, $4  }
0x1d: {  	[tilespmem:s6+$0x8130] =	vst v0  }
0x1e: {  	[tilespmem:s6+$0x8140] =	vst v0  }
0x1f: {  	[tilespmem:s6+$0x8150] =	vst v0  }
0x20: {  	[tilespmem:s6+$0x8160] =	vst v0;
	s6 =	sshra.s32 s7, $0x2;
	s7 =	sadd.s32 $0x200, s7  }
0x21: {  	[tilespmem:s6+$0x8170] =	vst v0  }
0x22: {  	[tilespmem:s6+$0x8100] =	vst v0  }
0x23: {  	[tilespmem:s6+$0x8110] =	vst v0  }
0x24: {  	[tilespmem:s6+$0x8120] =	vst v0  }
0x25: {  	[tilespmem:s6+$0x8130] =	vst v0  }
0x26: {  	[tilespmem:s6+$0x8140] =	vst v0  }
0x27: {  	[tilespmem:s6+$0x8150] =	vst v0  }
0x28: {  	[tilespmem:s6+$0x8160] =	vst v0  }
0x29: {  	[spmem:s4] =	stream.linear.scatter [tilespmem:s29], [sflag:$0x1], $0x1000, $0x38;
	[tilespmem:$0x1D100] =	vst v63  }
0x2a: {  	_ =	swait.ge [sflag:s30], $0x1000  }
0x2b: {  	[sflag:s30] =	ssyncset.done $0x0  }
0x2c: {  	s8 =	rddreg [dreg:$0x3];
	[sflag:s30] =	ssyncadd.s32 $0xFFFFF000  }
0x2d: {  	[spmem:s8] =	stream.linear.scatter [tilespmem:s29], [sflag:$0x1], $0x1000, $0x38;
	[tilespmem:$0x1D100] =	vst v63  }
0x2e: {  	_ =	swait.ge [sflag:s30], $0x1000  }
0x2f: {  	[sflag:s30] =	ssyncset.done $0x0  }
0x30: {  	s9 =	rddreg [dreg:$0x4];
	[sflag:s30] =	ssyncadd.s32 $0xFFFFF000  }
0x31: {  	[spmem:s9] =	stream.linear.scatter [tilespmem:s29], [sflag:$0x1], $0x1000, $0x38;
	[tilespmem:$0x1D100] =	vst v63  }
0x32: {  	_ =	swait.ge [sflag:s30], $0x1000  }
0x33: {  	[sflag:s30] =	ssyncset.done $0x0  }
0x34: {  	s10 =	rddreg [dreg:$0x5];
	[sflag:s30] =	ssyncadd.s32 $0xFFFFF000  }
0x35: {  	[spmem:s10] =	stream.linear.scatter [tilespmem:s29], [sflag:$0x1], $0x1000, $0x38;
	[tilespmem:$0x1D100] =	vst v63  }
0x36: {  	_ =	swait.ge [sflag:s30], $0x1000  }
0x37: {  	[sflag:s30] =	ssyncset.done $0x0  }
0x38: {  	s7 =	rddreg [dreg:$0x6];
	[sflag:s30] =	ssyncadd.s32 $0xFFFFF000  }
0x39: {  	[spmem:s7] =	stream.linear.scatter [tilespmem:s29], [sflag:$0x1], $0x1000, $0x38;
	[tilespmem:$0x1D100] =	vst v63  }
0x3a: {  	_ =	swait.ge [sflag:s30], $0x1000  }
0x3b: {  	[sflag:s30] =	ssyncset.done $0x0  }
0x3c: {  	s8 =	rddreg [dreg:$0x7];
	[sflag:s30] =	ssyncadd.s32 $0xFFFFF000  }
0x3d: {  	[spmem:s8] =	stream.linear.scatter [tilespmem:s29], [sflag:$0x1], $0x1000, $0x38;
	[tilespmem:$0x1D100] =	vst v63  }
0x3e: {  	_ =	swait.ge [sflag:s30], $0x1000  }
0x3f: {  	[sflag:s30] =	ssyncset.done $0x0  }
0x40: {  	s9 =	rddreg [dreg:$0x8];
	[sflag:s30] =	ssyncadd.s32 $0xFFFFF000  }
0x41: {  	[spmem:s9] =	stream.linear.scatter [tilespmem:s29], [sflag:$0x1], $0x1000, $0x38;
	[tilespmem:$0x1D100] =	vst v63  }
0x42: {  	_ =	swait.ge [sflag:s30], $0x1000  }
0x43: {  	[sflag:s30] =	ssyncset.done $0x0  }
0x44: {  	[sflag:s30] =	ssyncadd.s32 $0xFFFFF000  }
0x45: {  	[spmem:s11] =	stream.linear.scatter [tilespmem:s29], [sflag:$0x1], $0x1000, $0x38;
	[tilespmem:$0x1D100] =	vst v63  }
0x46: {  	_ =	swait.ge [sflag:s30], $0x1000  }
0x47: {  	[sflag:s30] =	ssyncset.done $0x0  }
0x48: {  	[sflag:s30] =	ssyncadd.s32 $0xFFFFF000  }
0x49: {  	[spmem:s12] =	stream.linear.scatter [tilespmem:s29], [sflag:$0x1], $0x1000, $0x38;
	[tilespmem:$0x1D100] =	vst v63  }
0x4a: {  	_ =	swait.ge [sflag:s30], $0x1000  }
0x4b: {  	[sflag:s30] =	ssyncset.done $0x0  }
0x4c: {  	[sflag:s30] =	ssyncadd.s32 $0xFFFFF000  }
0x4d: {  	[spmem:s13] =	stream.linear.scatter [tilespmem:s29], [sflag:$0x1], $0x1000, $0x38;
	[tilespmem:$0x1D100] =	vst v63  }
0x4e: {  	_ =	swait.ge [sflag:s30], $0x1000  }
0x4f: {  	[sflag:s30] =	ssyncset.done $0x0  }
0x50: {  	[sflag:s30] =	ssyncadd.s32 $0xFFFFF000  }
0x51: {  	[spmem:s14] =	stream.linear.scatter [tilespmem:s29], [sflag:$0x1], $0x1000, $0x38;
	[tilespmem:$0x1D100] =	vst v63  }
0x52: {  	_ =	swait.ge [sflag:s30], $0x1000  }
0x53: {  	[sflag:s30] =	ssyncset.done $0x0  }
0x54: {  	[sflag:s30] =	ssyncadd.s32 $0xFFFFF000  }
0x55: {  	[spmem:s15] =	stream.linear.scatter [tilespmem:s29], [sflag:$0x1], $0x1000, $0x38;
	[tilespmem:$0x1D100] =	vst v63  }
0x56: {  	_ =	swait.ge [sflag:s30], $0x1000  }
0x57: {  	[sflag:s30] =	ssyncset.done $0x0  }
0x58: {  	[sflag:s30] =	ssyncadd.s32 $0xFFFFF000  }
0x59: {  	[spmem:s16] =	stream.linear.scatter [tilespmem:s29], [sflag:$0x1], $0x1000, $0x38;
	[tilespmem:$0x1D100] =	vst v63  }
0x5a: {  	_ =	swait.ge [sflag:s30], $0x1000  }
0x5b: {  	[sflag:s30] =	ssyncset.done $0x0  }
0x5c: {  	[sflag:s30] =	ssyncadd.s32 $0xFFFFF000  }
0x5d: {  	[spmem:s17] =	stream.linear.scatter [tilespmem:s29], [sflag:$0x1], $0x1000, $0x38;
	[tilespmem:$0x1D100] =	vst v63  }
0x5e: {  	_ =	swait.ge [sflag:s30], $0x1000  }
0x5f: {  	[sflag:s30] =	ssyncset.done $0x0  }
0x60: {  	[sflag:s30] =	ssyncadd.s32 $0xFFFFF000  }
0x61: {  	[spmem:s18] =	stream.linear.scatter [tilespmem:s29], [sflag:$0x1], $0x1000, $0x38;
	[tilespmem:$0x1D100] =	vst v63  }
0x62: {  	_ =	swait.ge [sflag:s30], $0x1000  }
0x63: {  	[sflag:s30] =	ssyncset.done $0x0  }
0x64: {  	[sflag:s30] =	ssyncadd.s32 $0xFFFFF000  }
0x65: {  	[spmem:s19] =	stream.linear.scatter [tilespmem:s29], [sflag:$0x1], $0x1000, $0x38;
	[tilespmem:$0x1D100] =	vst v63  }
0x66: {  	_ =	swait.ge [sflag:s30], $0x1000  }
0x67: {  	[sflag:s30] =	ssyncset.done $0x0  }
0x68: {  	[sflag:s30] =	ssyncadd.s32 $0xFFFFF000  }
0x69: {  	[spmem:s20] =	stream.linear.scatter [tilespmem:s29], [sflag:$0x1], $0x1000, $0x38;
	[tilespmem:$0x1D100] =	vst v63  }
0x6a: {  	_ =	swait.ge [sflag:s30], $0x1000  }
0x6b: {  	[sflag:s30] =	ssyncset.done $0x0  }
0x6c: {  	[sflag:s30] =	ssyncadd.s32 $0xFFFFF000  }
0x6d: {  	[spmem:s21] =	stream.linear.scatter [tilespmem:s29], [sflag:$0x1], $0x1000, $0x38;
	[tilespmem:$0x1D100] =	vst v63  }
0x6e: {  	_ =	swait.ge [sflag:s30], $0x1000  }
0x6f: {  	[sflag:s30] =	ssyncset.done $0x0  }
0x70: {  	[sflag:s30] =	ssyncadd.s32 $0xFFFFF000  }
0x71: {  	[spmem:s22] =	stream.linear.scatter [tilespmem:s29], [sflag:$0x1], $0x1000, $0x38;
	[tilespmem:$0x1D100] =	vst v63  }
0x72: {  	_ =	swait.ge [sflag:s30], $0x1000  }
0x73: {  	[sflag:s30] =	ssyncset.done $0x0  }
0x74: {  	[sflag:s30] =	ssyncadd.s32 $0xFFFFF000  }
0x75: {  	[spmem:s23] =	stream.linear.scatter [tilespmem:s29], [sflag:$0x1], $0x1000, $0x38;
	[tilespmem:$0x1D100] =	vst v63  }
0x76: {  	_ =	swait.ge [sflag:s30], $0x1000  }
0x77: {  	[sflag:s30] =	ssyncset.done $0x0  }
0x78: {  	[sflag:s30] =	ssyncadd.s32 $0xFFFFF000  }
0x79: {  	s10 =	sadd.s32 $0x0, s28;
	[bflag:$0x0] =	sbarrier.arrive $0xFFFF  }
0x7a: {  	[tilespmem:s3], [sflag:$0x1] =	stream.linear.gather [hbm4b:s10+s3], $0x100, $0x38;
	[tilespmem:$0x1D100] =	vst v63  }
0x7b: {  	_ =	swait.ge [sflag:s30], $0x100  }
0x7c: {  	[sflag:s30] =	ssyncset.done $0x0  }
0x7d: {  	[sflag:s30] =	ssyncadd.s32 $0xFFFFFF00  }
0x7e: {  	[tilespmem:s31], [sflag:$0x1] =	stream.linear.gather [hbm4b:s26+s3], $0x8000, $0x38;
	[tilespmem:$0x1D100] =	vst v63  }
0x7f: {  	_ =	swait.ge [sflag:s30], $0x8000  }
0x80: {  	[sflag:s30] =	ssyncset.done $0x0  }
0x81: {  	[sflag:s30] =	ssyncadd.s32 $0xFFFF8000  }
0x82: {  	[spmem:s2] =	stream.indirect.scatter.add.f32 [tilespmem:s31], [sflag:$0x1], $0x80, s3, s1, $0xb8;
	[tilespmem:$0x1D100] =	vst v63  }
0x83: {  	_ =	swait.ge [sflag:s30], $0x4000  }
0x84: {  	[sflag:s30] =	ssyncset.done $0x0  }
0x85: {  	[sflag:s30] =	ssyncadd.s32 $0xFFFFC000  }
0x86: {  	[spmem:s2] =	stream.indirect.scatter.add.f32 [tilespmem:s0], [sflag:$0x1], $0x80, s1, s1, $0xb8;
	[tilespmem:$0x1D100] =	vst v63  }
0x87: {  	s6 =	sadd.s32 $0x1000, s26;
	_ =	swait.ge [sflag:s30], $0x4000  }
0x88: {  	s7 =	simm.s32 $0x20;
	s8 =	simm.s32 $0x40;
	[sflag:s30] =	ssyncset.done $0x0  }
.LBB2_4:
0x89: {  	s9 =	sadd.s32 s7, s28  }
0x8a: {  	[sflag:s30] =	ssyncadd.s32 $0xFFFFC000;
	s7 =	smov.u32 s8;
	s10 =	sadd.s32 $0x20, s8  }
0x8b: {  	[tilespmem:s3], [sflag:$0x1] =	stream.linear.gather [hbm4b:s9+s3], $0x100, $0x38;
	[tilespmem:$0x1D100] =	vst v63  }
0x8c: {  	p0 =	sne.s32 s8, $0x4E0;
	_ =	swait.ge [sflag:s30], $0x100  }
0x8d: {  	[sflag:s30] =	ssyncset.done $0x0  }
0x8e: {  	[sflag:s30] =	ssyncadd.s32 $0xFFFFFF00  }
0x8f: {  	[tilespmem:s31], [sflag:$0x1] =	stream.linear.gather [hbm4b:s6+s3], $0x8000, $0x38;
	[tilespmem:$0x1D100] =	vst v63  }
0x90: {  	_ =	swait.ge [sflag:s30], $0x8000  }
0x91: {  	[sflag:s30] =	ssyncset.done $0x0  }
0x92: {  	[sflag:s30] =	ssyncadd.s32 $0xFFFF8000  }
0x93: {  	[spmem:s2] =	stream.indirect.scatter.add.f32 [tilespmem:s31], [sflag:$0x1], $0x80, s3, s1, $0xb8;
	[tilespmem:$0x1D100] =	vst v63  }
0x94: {  	_ =	swait.ge [sflag:s30], $0x4000  }
.Ltmp1:
0x95: {  	[sflag:s30] =	ssyncset.done $0x0;
	(pc) =	sbr.rel @p0 .LBB2_4-.Ltmp1, $4  }
0x96: {  	[sflag:s30] =	ssyncadd.s32 $0xFFFFC000  }
0x97: {  	[spmem:s2] =	stream.indirect.scatter.add.f32 [tilespmem:s0], [sflag:$0x1], $0x80, s1, s1, $0xb8;
	[tilespmem:$0x1D100] =	vst v63  }
0x98: {  	_ =	swait.ge [sflag:s30], $0x4000  }
0x99: {  	s8 =	smov.u32 s10;
	s6 =	sadd.s32 $0x1000, s6;
	[sflag:s30] =	ssyncset.done $0x0  }
0x9a: {  	s7 =	sadd.s32 s7, s28;
	[sflag:s30] =	ssyncadd.s32 $0xFFFFC000  }
0x9b: {  	[tilespmem:s3], [sflag:$0x1] =	stream.linear.gather [hbm4b:s7+s3], $0x100, $0x38;
	[tilespmem:$0x1D100] =	vst v63  }
0x9c: {  	_ =	swait.ge [sflag:s30], $0x100  }
0x9d: {  	[sflag:s30] =	ssyncset.done $0x0  }
0x9e: {  	[sflag:s30] =	ssyncadd.s32 $0xFFFFFF00  }
0x9f: {  	[tilespmem:s31], [sflag:$0x1] =	stream.linear.gather [hbm4b:s6+s3], $0x8000, $0x38;
	[tilespmem:$0x1D100] =	vst v63  }
0xa0: {  	_ =	swait.ge [sflag:s30], $0x8000  }
0xa1: {  	[sflag:s30] =	ssyncset.done $0x0  }
0xa2: {  	[sflag:s30] =	ssyncadd.s32 $0xFFFF8000  }
0xa3: {  	[spmem:s2] =	stream.indirect.scatter.add.f32 [tilespmem:s31], [sflag:$0x1], $0x80, s3, s1, $0xb8;
	[tilespmem:$0x1D100] =	vst v63  }
0xa4: {  	_ =	swait.ge [sflag:s30], $0x4000  }
0xa5: {  	[sflag:s30] =	ssyncset.done $0x0  }
0xa6: {  	[sflag:s30] =	ssyncadd.s32 $0xFFFFC000  }
0xa7: {  	[spmem:s2] =	stream.indirect.scatter.add.f32 [tilespmem:s0], [sflag:$0x1], $0x80, s1, s1, $0xb8;
	[tilespmem:$0x1D100] =	vst v63  }
0xa8: {  	s9 =	stileid.u32;
	_ =	swait.ge [sflag:s30], $0x4000  }
0xa9: {  	s10 =	sshrl.u32 s4, $0x3;
	s5 =	sadd.s32 $0x1, s5;
	[sflag:s30] =	ssyncset.done $0x0  }
0xaa: {  	p0 =	sne.s32 s5, s25;
	s6 =	sshll.u32 s9, $0x6;
	[sflag:s30] =	ssyncadd.s32 $0xFFFFC000  }
.Ltmp2:
0xab: {  	s6 =	sor.u32 $0x1C01, s6;
	[bflag:$0x0] =	sbarrier.arrive $0xFFFF;
	(pc) =	sbr.rel @p0 .LBB2_1-.Ltmp2, $4  }
0xac: {  	[hbm:s24], [sflag:s6] =	dma.local [spmem:s10], $0x2800  }
0xad: {  	_ =	swait.ge [sflag:s30], $0x2800  }
0xae: {  	[sflag:s30] =	ssyncset.done $0x0  }
0xaf: {  	[sflag:s30] =	ssyncadd.s32 $0xFFFFD800  }
0xb0: {  	_ =	sfence.sel $0x180000  }
0xb1: {  	[bflag:$0x0] =	sbarrier.arrive $0xFFFF  }
0xb2: {  	_ =	strace $0x9000004A  }
0xb3: {  	s0 =	stileid.u32;
	[bflag:$0x2] =	sbarrier.arrive $0xFFFF  }
0xb4: {  	p0 =	sne.s32 s0, $0x0;
	s0 =	rddreg [dreg:$0x2]  }
0xb5: {  	s0 =	sadd.s32 @!p0 $0x100000, s0  }
0xb6: {  	[sflag:s0] =	ssyncadd.tile.s32 @!p0 $0x1;
	_ =	shalt  }
.Lfunc_end2:
_tile_overlayer_lowered:
.L_overlay_start_2:
0xb7: {  	(tag) =	ssettag $0x2  }
0xb8: {  	s0 =	rddreg [dreg:$0x0];
	s2 =	stileid.u32  }
0xb9: {  	s1 =	rddreg [dreg:$0x1];
	p0 =	sne.s32 s2, $0x0  }
0xba: {  	s3 =	rddreg [dreg:$0x2];
	[bflag:$0x3] =	sbarrier.arrive $0xFFFF;
	s2 =	simm.s32 @!p0 $0x1C01  }
0xbb: {  	[timem:s3], [sflag:s2] =	dma.local @!p0 [hbm:s0], s1  }
0xbc: {  	s0 =	simm.s32 @!p0 $0x1  }
0xbd: {  	_ =	swait.ge @!p0 [sflag:s0], s1  }
0xbe: {  	s1 =	ssub.s32 @!p0 $0x0, s1;
	[sflag:s0] =	ssyncset.done @!p0 $0x0  }
0xbf: {  	[sflag:s0] =	ssyncadd.s32 @!p0 s1  }
0xc0: {  	[bflag:$0x3] =	sbarrier.arrive $0xFFFF  }
0xc1: {  	_ =	shalt  }

// kernel: kernel.7.cloned.1.call-start
scs
__scs_entry_jumppad:
0x0: {  	(pc) =	sbr.rel $0x88, $3  }
0x1: {  	(tag) =	ssettag $0x0;
	lr =	simm.s32 $0x1  }
0x2: {  	[smem:$0x3F8D] =	sst lr;
	_ =	strace $0xD0000000  }
0x3: {  	_ = 	snop  }
0x4: {  	_ = 	snop  }
0x5: {  	_ = 	snop  }
0x6: {  	_ = 	snop  }
0x7: {  	_ = 	snop  }
__scs_overlays_trampoline_lowered:
0x8: {  	[smem:$0x3F9C] =	sst s0  }
0x9: {  	[smem:$0x3F9D] =	sst s1  }
0xa: {  	[smem:$0x3F9E] =	sst s2  }
0xb: {  	[smem:$0x3F9F] =	sst s3  }
0xc: {  	[smem:$0x3FA0] =	sst s4  }
0xd: {  	[smem:$0x3FA1] =	sst s5  }
0xe: {  	[smem:$0x3FA2] =	sst s6  }
0xf: {  	[smem:$0x3FA3] =	sst s7  }
0x10: {  	[smem:$0x3FA4] =	sst s8  }
0x11: {  	[smem:$0x3FA5] =	sst s9;
	s0 =	simm.s32 @!p0 $0x0  }
0x12: {  	s1 =	sld [smem:$0x3F8B];
	s0 =	simm.s32 @p0 $0x1  }
0x13: {  	[smem:$0x3FA6] =	sst s0;
	s0 =	simm.s32 @!p1 $0x0  }
0x14: {  	s2 =	sld [smem:$0x3F8A];
	s0 =	simm.s32 @p1 $0x1  }
0x15: {  	[smem:$0x3FA7] =	sst s0;
	s0 =	simm.s32 @!p2 $0x0  }
0x16: {  	s3 =	sld [smem:$0x3FDB];
	s0 =	simm.s32 @p2 $0x1  }
0x17: {  	s4 =	simm.s32 $0x1BF5;
	[smem:$0x3FA9] =	sst s0  }
0x18: {  	s0 =	sld [smem:$0x3F8C];
	_ =	swait.ge [sflag:s4], $0x0  }
0x19: {  	s7 =	sld [smem:$0x3F8D]  }
0x1a: {  	s8 =	sadd.s32 $0xFFFFE003, lr  }
0x1b: {  	s9 =	sadd.s32 $0xFFFFFEF7, lr;
	s5 =	simm.s32 $0xFFFFFFFF;
	p2 =	slt.u32 s8, $0xFFFFF086  }
0x1c: {  	p1 =	slt.u32 s9, $0xF7A;
	s5 =	simm.s32 @!p2 $0x0  }
0x1d: {  	s5 =	simm.s32 @p1 $0x1;
	p0 =	seq.s32 s7, s2  }
0x1e: {  	s7 =	smul.u32 @!p0 $0xF7A, s2;
	p2 =	seq.s32 @!p0 s5, $0x0  }
0x1f: {  	s9 =	smul.u32 $0xF7A, s1;
	s8 =	simm.s32 @!p0 $0x1BF5;
	p2 =	por !p2, p0  }
0x20: {  	[sflag:s8] =	ssyncset.s32 @!p0 $0xFFFFF086;
	s6 =	sadd.s32 @!p0 s3, s7;
	s7 =	simm.s32 @!p0 $0x108  }
0x21: {  	s3 =	sadd.s32 s3, s9;
	s6 =	sadd.s32 @!p0 $0x88, s6;
	s7 =	simm.s32 @p2 $0x1082  }
0x22: {  	[simem:s7], [sflag:s8] =	dma.local @!p0 [hbm:s6], $0xF7A  }
0x23: {  	s9 =	sor.u32 $0xD0000000, s2;
	s6 =	simm.s32 $0x108;
	_ =	swait.ge @!p0 [sflag:s8], $0x0  }
0x24: {  	s3 =	sadd.s32 $0x88, s3;
	s6 =	simm.s32 @!p1 $0x1082;
	[sflag:s4] =	ssyncset.s32 $0xFFFFF086  }
0x25: {  	[simem:s6], [sflag:s4] =	dma.local [hbm:s3], $0xF7A  }
0x26: {  	[smem:$0x3F8D] =	sst s1;
	(tag) =	ssettag s2;
	_ =	strace s9  }
0x27: {  	s1 =	sld [smem:$0x3F9D]  }
0x28: {  	s2 =	sld [smem:$0x3F9E]  }
0x29: {  	s4 =	sld [smem:$0x3FA0]  }
0x2a: {  	p0 =	seq.s32 s5, $0x0;
	s5 =	sld [smem:$0x3FA1]  }
0x2b: {  	s6 =	sld [smem:$0x3FA2]  }
0x2c: {  	s7 =	sld [smem:$0x3FA3]  }
0x2d: {  	s3 =	simm.s32 $0x108;
	s8 =	sld [smem:$0x3FA4]  }
0x2e: {  	s3 =	simm.s32 @!p0 $0x1082;
	s9 =	sld [smem:$0x3FA5]  }
0x2f: {  	lr =	sadd.s32 s0, s3;
	s0 =	sld [smem:$0x3F9C]  }
0x30: {  	s3 =	sld [smem:$0x3F9F]  }
0x31: {  	[smem:$0x3FA8] =	sst s10  }
0x32: {  	s10 =	sld [smem:$0x3FA6];
	_ =	sdelay $0x3  }
0x33: {  	p0 =	seq.s32 s10, $0x1;
	s10 =	sld [smem:$0x3FA8];
	_ =	sdelay $0x3  }
0x34: {  	[smem:$0x3FA8] =	sst s10  }
0x35: {  	s10 =	sld [smem:$0x3FA7];
	_ =	sdelay $0x3  }
0x36: {  	p1 =	seq.s32 s10, $0x1;
	s10 =	sld [smem:$0x3FA8];
	_ =	sdelay $0x3  }
0x37: {  	[smem:$0x3FA8] =	sst s10  }
0x38: {  	s10 =	sld [smem:$0x3FA9]  }
0x39: {  	_ = 	snop;
	(pc) =	sbr.ind lr, $3  }
0x3a: {  	_ = 	snop  }
0x3b: {  	_ = 	snop  }
0x3c: {  	p2 =	seq.s32 s10, $0x1;
	s10 =	sld [smem:$0x3FA8]  }
0x3d: {  	_ =	shalt  }
0x3e: {  	_ =	shalt  }
0x3f: {  	_ =	shalt  }
0x40: {  	_ =	shalt  }
0x41: {  	_ =	shalt  }
0x42: {  	_ =	shalt  }
0x43: {  	_ =	shalt  }
0x44: {  	_ =	shalt  }
0x45: {  	_ =	shalt  }
0x46: {  	_ =	shalt  }
0x47: {  	_ =	shalt  }
0x48: {  	_ =	shalt  }
0x49: {  	_ =	shalt  }
0x4a: {  	_ =	shalt  }
0x4b: {  	_ =	shalt  }
0x4c: {  	_ =	shalt  }
0x4d: {  	_ =	shalt  }
0x4e: {  	_ =	shalt  }
0x4f: {  	_ =	shalt  }
0x50: {  	_ =	shalt  }
0x51: {  	_ =	shalt  }
0x52: {  	_ =	shalt  }
0x53: {  	_ =	shalt  }
0x54: {  	_ =	shalt  }
0x55: {  	_ =	shalt  }
0x56: {  	_ =	shalt  }
0x57: {  	_ =	shalt  }
0x58: {  	_ =	shalt  }
0x59: {  	_ =	shalt  }
0x5a: {  	_ =	shalt  }
0x5b: {  	_ =	shalt  }
0x5c: {  	_ =	shalt  }
0x5d: {  	_ =	shalt  }
0x5e: {  	_ =	shalt  }
0x5f: {  	_ =	shalt  }
0x60: {  	_ =	shalt  }
0x61: {  	_ =	shalt  }
0x62: {  	_ =	shalt  }
0x63: {  	_ =	shalt  }
0x64: {  	_ =	shalt  }
0x65: {  	_ =	shalt  }
0x66: {  	_ =	shalt  }
0x67: {  	_ =	shalt  }
0x68: {  	_ =	shalt  }
0x69: {  	_ =	shalt  }
0x6a: {  	_ =	shalt  }
0x6b: {  	_ =	shalt  }
0x6c: {  	_ =	shalt  }
0x6d: {  	_ =	shalt  }
0x6e: {  	_ =	shalt  }
0x6f: {  	_ =	shalt  }
0x70: {  	_ =	shalt  }
0x71: {  	_ =	shalt  }
0x72: {  	_ =	shalt  }
0x73: {  	_ =	shalt  }
0x74: {  	_ =	shalt  }
0x75: {  	_ =	shalt  }
0x76: {  	_ =	shalt  }
0x77: {  	_ =	shalt  }
0x78: {  	_ =	shalt  }
0x79: {  	_ =	shalt  }
0x7a: {  	_ =	shalt  }
0x7b: {  	_ =	shalt  }
0x7c: {  	_ =	shalt  }
0x7d: {  	_ =	shalt  }
0x7e: {  	_ =	shalt  }
0x7f: {  	_ =	shalt  }
0x80: {  	_ =	shalt  }
0x81: {  	_ =	shalt  }
0x82: {  	_ =	shalt  }
0x83: {  	_ =	shalt  }
0x84: {  	_ =	shalt  }
0x85: {  	_ =	shalt  }
0x86: {  	_ =	shalt  }
0x87: {  	_ =	shalt  }
.Lfunc_end0:
.L_simem_size_0:
called_computation_lowered:
.L_overlay_start_0:
0x88: {  	s2 =	sld [smem:$0x3FD9]  }
0x89: {  	s3 =	sld [smem:$0x3FFE];
	_ =	sdelay $0x1  }
0x8a: {  	s1 =	srdreg.scid  }
0x8b: {  	s0 =	sand.u32 $0x1, s1  }
0x8c: {  	s14 =	sshll.u32 s0, $0xA;
	s2 =	sadd.s32 s3, s2  }
0x8d: {  	s2 =	sadd.s32 s2, s14  }
0x8e: {  	[smem:$0x3FB4] =	sst s2  }
0x8f: {  	_ = 	snop  }
0x90: {  	s2 =	sld [smem:$0x3FD0];
	_ =	sdelay $0x2  }
0x91: {  	s15 =	simm.s32 $0xA;
	s4 =	simm.s32 $0x10  }
0x92: {  	[smem:s4], [sflag:s15] =	dma.local [hbm:s2], $0x1  }
0x93: {  	_ =	swait.eq [sflag:s15], $0x1  }
0x94: {  	[sflag:s15] =	ssyncset.done $0x0  }
0x95: {  	[sflag:s15] =	ssyncadd.s32 $0xFFFFFFFF  }
0x96: {  	s16 =	sld [smem:$0x10];
	(tm) =	ssettm $0x1  }
0x97: {  	s17 =	sld [smem:$0x3FFB];
	_ =	sdelay $0x3  }
0x98: {  	_ =	strace s17  }
0x99: {  	s3 =	sld [smem:$0x3FFC];
	_ =	sdelay $0x3  }
0x9a: {  	_ =	strace s3  }
0x9b: {  	s3 =	sld [smem:$0x3FFD];
	_ =	sdelay $0x3  }
0x9c: {  	_ =	strace s3  }
0x9d: {  	_ =	strace $0x8FFFFFFF  }
0x9e: {  	s18 =	sld [smem:$0x3FDB];
	_ =	sdelay $0x1  }
0x9f: {  	s19 =	simm.s32 $_scs_section_size  }
0xa0: {  	s5 =	simm.s32 $_size__tile_overlayer_lowered;
	s6 =	simm.s32 $_tile_overlayer_lowered  }
0xa1: {  	s22 =	simm.s32 $0x1BFF;
	s21 =	sshll.u32 s6, $0x1;
	s3 =	sadd.s32 s19, s18  }
0xa2: {  	s7 =	simm.s32 $0x0;
	s20 =	sshll.u32 s5, $0x1;
	s5 =	sadd.s32 s21, s3  }
0xa3: {  	[timem:s7], [sflag:s22] =	dma.local [hbm:s5], s20  }
0xa4: {  	_ =	swait.ge [sflag:s22], s20  }
0xa5: {  	s4 =	ssub.s32 $0x0, s20;
	[sflag:s22] =	ssyncset.done $0x0  }
0xa6: {  	[sflag:s22] =	ssyncadd.s32 s4;
	_ =	sdelay $0x1  }
0xa7: {  	s23 =	simm.s32 $0x1B8B  }
0xa8: {  	_ =	swait.ge [sflag:s23], $0x1  }
0xa9: {  	[sflag:s23] =	ssyncset.done $0x0  }
0xaa: {  	s25 =	simm.s32 $0x1B8E;
	s24 =	sld [smem:$0x3FFE];
	[sflag:s23] =	ssyncadd.s32 $0xFFFFFFFF  }
0xab: {  	s26 =	simm.s32 $execute0_lowered;
	[smem:$0x3FD2] =	sst s25  }
0xac: {  	s5 =	sshll.u32 s26, $0x1;
	_ =	strace $0x80000046;
	[dreg:$0x1] =	wrdreg $0xFFFFFFFF  }
0xad: {  	s28 =	simm.s32 $_size_execute0_lowered;
	s3 =	sadd.s32 s3, s5;
	[dreg:$0x0] =	wrdreg $0x0  }
0xae: {  	s5 =	sshll.u32 s28, $0x1;
	[dreg:$0x2] =	wrdreg s3  }
0xaf: {  	[dreg:$0x3] =	wrdreg s5  }
0xb0: {  	[dreg:$0x4] =	wrdreg $0xC0  }
0xb1: {  	_ =	task [dreg:s7], $0x5FFFF  }
0xb2: {  	[dreg:$0x1] =	wrdreg $0xFFFFFFFF  }
0xb3: {  	[dreg:$0x0] =	wrdreg $0x60  }
0xb4: {  	[dreg:$0x2] =	wrdreg s16  }
0xb5: {  	[dreg:$0x3] =	wrdreg s24  }
0xb6: {  	[dreg:$0x4] =	wrdreg $0x9  }
0xb7: {  	_ =	task.clear_ibuf [dreg:s7], $0x5FFFF;
	_ =	strace $0x90000046  }
0xb8: {  	s29 =	simm.s32 $0x9;
	_ =	strace $0x80000048  }
0xb9: {  	_ =	swait.ge [sflag:s29], $0x1  }
0xba: {  	[sflag:s29] =	ssyncadd.s32 $0xFFFFFFFF  }
0xbb: {  	_ =	strace $0x90000048  }
0xbc: {  	_ =	sfence  }
0xbd: {  	s30 =	sld [smem:$0x0];
	_ =	sdelay $0x2  }
0xbe: {  	s31 =	sshll.u32 s1, $0xD;
	s1 =	sshrl.u32 s1, $0x2  }
0xbf: {  	s3 =	sand.u32 $0x4000, s31;
	s1 =	sadd.s32 s1, s30  }
0xc0: {  	s0 =	sor.u32 s3, s0;
	s1 =	sshll.u32 s1, $0x11  }
0xc1: {  	s0 =	sor.u32 s1, s0  }
0xc2: {  	s0 =	sadd.s32 $0x8F2B, s0  }
0xc3: {  	[sflag:s0] =	ssyncadd.remote.s32 $0x1  }
0xc4: {  	_ =	sfence.sel $0xFFFF  }
0xc5: {  	[dreg:$0x0] =	wrdreg $0xFFFFFFFF;
	(pc) =	sbr.abs _section_cstart, $3  }
0xc6: {  	[dreg:$0x1] =	wrdreg $0xFFFFFFFF  }
0xc7: {  	_ =	task.clear_ibuf [dreg:s7], $0x2FFFF;
	_ =	strace $0x9FFFFFFF  }
0xc8: {  	(tm) =	ssettm $0x7FFFFFFF  }
0xc9: {  	_ =	shalt  }
tec
execute0_lowered:
.L_overlay_start_1:
0x0: {  	(tag) =	ssettag $0x1  }
0x1: {  	s1 =	rddreg [dreg:$0x0]  }
0x2: {  	s0 =	rddreg [dreg:$0x1];
	s2 =	simm.s32 $0x0  }
0x3: {  	s3 =	srdreg.scid;
	s30 =	stileid.u32;
	s13 =	simm.s32 $0x2  }
0x4: {  	s14 =	simm.s32 $0x80;
	s15 =	simm.s32 $0x400;
	s16 =	simm.s32 $0x2400  }
0x5: {  	s17 =	simm.s32 $0x100;
	s18 =	simm.s32 $0x4400;
	s19 =	simm.s32 $0x180  }
0x6: {  	s20 =	simm.s32 $0x6400;
	s21 =	simm.s32 $0x1;
	s22 =	simm.s32 $0x280  }
0x7: {  	s23 =	simm.s32 $0x300;
	s24 =	simm.s32 $0x380;
	s25 =	simm.s32 $0x8400  }
0x8: {  	s26 =	simm.s32 $0x0;
	[smem:$0x7FF] =	sst s2;
	s4 =	sadd.s32 $0x3800, s0  }
0x9: {  	s5 =	sadd.s32 $0x2B800, s0;
	s9 =	sand.u32 $0x1, s3;
	s6 =	sadd.s32 $0x17800, s0  }
0xa: {  	s7 =	sadd.s32 $0x21800, s0;
	s12 =	sshll.u32 s30, $0x1;
	s10 =	ssub.s32 $0x2, s9  }
0xb: {  	s8 =	sadd.s32 $0x7CC00, s0;
	_ =	strace $0x80000047;
	s11 =	sshrl.u32 s10, $0x1  }
0xc: {  	v0 =	vlaneseq.u32;
	s31 =	sor.u32 s9, s12;
	s9 =	sadd.s32 $0x2CC00, s0;
	s11 =	ssub.s32 s10, s11  }
0xd: {  	v0 =	vmul.u32 $0x8, v0;
	s12 =	simm.s32 $0x9400;
	s10 =	smul.u32 $0x2800, s31;
	s11 =	smax.u32 s11, $0x1  }
.LBB2_1:
0xe: {  	[tilespmem:s12], [sflag:$0x2] =	stream.linear.gather [hbm4b:s5+s2], $0xA000, $0x38;
	[tilespmem:$0x13400] =	vst v63  }
0xf: {  	_ =	swait.ge [sflag:s13], $0xA000  }
0x10: {  	[sflag:s13] =	ssyncset.done $0x0  }
0x11: {  	s28 =	simm.s32 $0x0;
	[sflag:s13] =	ssyncadd.s32 $0xFFFF6000  }
.LBB2_2:
0x12: {  	s0 =	sshll.u32 s28, $0x9  }
0x13: {  	s29 =	sadd.s32 s10, s0  }
0x14: {  	s30 =	sshrl.u32 s29, $0x3  }
0x15: {  	s0 =	simm.s32 $0x0;
	s31 =	sadd.s32 s6, s30  }
0x16: {  	[tilespmem:s0], [sflag:$0x2] =	stream.linear.gather [hbm4b:s31+s0], $0x200, $0x38;
	[tilespmem:$0x13400] =	vst v63  }
0x17: {  	_ =	swait.ge [sflag:s13], $0x200  }
0x18: {  	[sflag:s13] =	ssyncset.done $0x0  }
0x19: {  	s31 =	sadd.s32 s7, s30;
	s30 =	simm.s32 $0x200;
	[sflag:s13] =	ssyncadd.s32 $0xFFFFFE00  }
0x1a: {  	[tilespmem:s30], [sflag:$0x2] =	stream.linear.gather [hbm4b:s31+s0], $0x200, $0x38;
	[tilespmem:$0x13400] =	vst v63  }
0x1b: {  	_ =	swait.ge [sflag:s13], $0x200  }
0x1c: {  	[sflag:s13] =	ssyncset.done $0x0  }
0x1d: {  	[sflag:s13] =	ssyncadd.s32 $0xFFFFFE00  }
0x1e: {  	[tilespmem:s15], [sflag:$0x1] =	stream.indirect.gather [hbm4b:s1+s14], $0x40, s0, s14, $0xb8;
	[tilespmem:$0x13400] =	vst v63  }
0x1f: {  	_ = 	snop  }
0x20: {  	[tilespmem:s16], [sflag:$0x1] =	stream.indirect.gather [hbm4b:s1+s14], $0x40, s14, s14, $0xb8;
	[tilespmem:$0x13400] =	vst v63  }
0x21: {  	_ = 	snop  }
0x22: {  	[tilespmem:s18], [sflag:$0x1] =	stream.indirect.gather [hbm4b:s1+s14], $0x40, s17, s14, $0xb8;
	[tilespmem:$0x13400] =	vst v63  }
0x23: {  	_ = 	snop  }
0x24: {  	[tilespmem:s20], [sflag:$0x1] =	stream.indirect.gather [hbm4b:s1+s14], $0x40, s19, s14, $0xb8;
	[tilespmem:$0x13400] =	vst v63  }
0x25: {  	_ =	swait.ge [sflag:s21], $0x2000  }
0x26: {  	[sflag:s21] =	ssyncset.done $0x0  }
0x27: {  	[sflag:s21] =	ssyncadd.s32 $0xFFFFE000  }
0x28: {  	_ =	swait.ge [sflag:s21], $0x2000  }
0x29: {  	[sflag:s21] =	ssyncset.done $0x0  }
0x2a: {  	[sflag:s21] =	ssyncadd.s32 $0xFFFFE000  }
0x2b: {  	_ =	swait.ge [sflag:s21], $0x2000  }
0x2c: {  	[sflag:s21] =	ssyncset.done $0x0  }
0x2d: {  	[sflag:s21] =	ssyncadd.s32 $0xFFFFE000  }
0x2e: {  	_ =	swait.ge [sflag:s21], $0x2000  }
0x2f: {  	[sflag:s21] =	ssyncset.done $0x0  }
0x30: {  	[sflag:s21] =	ssyncadd.s32 $0xFFFFE000  }
0x31: {  	[tilespmem:s15], [sflag:$0x1] =	stream.indirect.gather.add.f32 [hbm:s4], $0x40, s30, s14, $0xb8;
	[tilespmem:$0x13400] =	vst v63  }
0x32: {  	_ = 	snop  }
0x33: {  	[tilespmem:s16], [sflag:$0x1] =	stream.indirect.gather.add.f32 [hbm:s4], $0x40, s22, s14, $0xb8;
	[tilespmem:$0x13400] =	vst v63  }
0x34: {  	_ = 	snop  }
0x35: {  	[tilespmem:s18], [sflag:$0x1] =	stream.indirect.gather.add.f32 [hbm:s4], $0x40, s23, s14, $0xb8;
	[tilespmem:$0x13400] =	vst v63  }
0x36: {  	s31 =	simm.s32 $0x0  }
0x37: {  	[tilespmem:s20], [sflag:$0x1] =	stream.indirect.gather.add.f32 [hbm:s4], $0x40, s24, s14, $0xb8;
	[tilespmem:$0x13400] =	vst v63  }
.LBB2_3:
0x38: {  	v1 =	vld [tilespmem:s0+$0x0]  }
0x39: {  	v2 =	vld [tilespmem:s30+$0x0];
	_ =	sdelay $0x3  }
0x3a: {  	v1 =	vshll.u32 v1, $0x2  }
0x3b: {  	v2 =	vshll.u32 v2, $0x2  }
0x3c: {  	v3 =	vor.u32 $0x1, v1  }
0x3d: {  	v4 =	vor.u32 $0x2, v1  }
0x3e: {  	v5 =	vor.u32 $0x1, v2  }
0x3f: {  	v6 =	vor.u32 $0x2, v2;
	v1 =	vld.idx.msk [tilespmem:v1+s12+$0x0], $0xffff  }
0x40: {  	v2 =	vld.idx.msk [tilespmem:v2+s12+$0x0], $0xffff  }
0x41: {  	v3 =	vld.idx.msk [tilespmem:v3+s12+$0x0], $0xffff  }
0x42: {  	v4 =	vld.idx.msk [tilespmem:v4+s12+$0x0], $0xffff  }
0x43: {  	v5 =	vld.idx.msk [tilespmem:v5+s12+$0x0], $0xffff  }
0x44: {  	v6 =	vld.idx.msk [tilespmem:v6+s12+$0x0], $0xffff;
	_ =	sdelay $0x1  }
0x45: {  	v7 =	vmov s31  }
0x46: {  	v7 =	vshll.u32 v7, $0x3  }
0x47: {  	v1 =	vsub.f32 v1, v2;
	v2 =	vsub.f32 v3, v5;
	v3 =	vor.u32 v0, v7  }
0x48: {  	v4 =	vsub.f32 v4, v6;
	v60 =	vor.u32 $0x1, v3  }
0x49: {  	v61 =	vmul.f32 v1, v1;
	v8 =	vor.u32 $0x2, v3;
	v62 =	vmul.f32 v2, v2  }
0x4a: {  	p0 =	sne.s32 s31, $0x30;
	v9 =	vor.u32 $0x3, v3  }
.Ltmp0:
0x4b: {  	v63 =	vmul.f32 v4, v4;
	v6 =	vadd.f32 v62, v61;
	(pc) =	sbr.rel @p0 .LBB2_3-.Ltmp0, $4  }
0x4c: {  	[tilespmem:v3+s25+$0x0] =	vst.idx.msk $0xffff, v1  }
0x4d: {  	v1 =	vadd.f32 v63, v6;
	[tilespmem:v60+s25+$0x0] =	vst.idx.msk $0xffff, v2  }
0x4e: {  	[tilespmem:v8+s25+$0x0] =	vst.idx.msk $0xffff, v4  }
0x4f: {  	s0 =	sadd.s32 $0x10, s0;
	s30 =	sadd.s32 $0x10, s30;
	s31 =	sadd.s32 $0x10, s31;
	[tilespmem:v9+s25+$0x0] =	vst.idx.msk $0xffff, v1  }
0x50: {  	s0 =	simm.s32 $0x80;
	s30 =	simm.s32 $0x280;
	s31 =	simm.s32 $0x80  }
.LBB2_5:
0x51: {  	v1 =	vld [tilespmem:s0+$0x0]  }
0x52: {  	v2 =	vld [tilespmem:s30+$0x0];
	_ =	sdelay $0x3  }
0x53: {  	v1 =	vshll.u32 v1, $0x2  }
0x54: {  	v2 =	vshll.u32 v2, $0x2  }
0x55: {  	v3 =	vor.u32 $0x1, v1  }
0x56: {  	v4 =	vor.u32 $0x2, v1  }
0x57: {  	v5 =	vor.u32 $0x1, v2  }
0x58: {  	v6 =	vor.u32 $0x2, v2;
	v1 =	vld.idx.msk [tilespmem:v1+s12+$0x0], $0xffff  }
0x59: {  	v2 =	vld.idx.msk [tilespmem:v2+s12+$0x0], $0xffff  }
0x5a: {  	v3 =	vld.idx.msk [tilespmem:v3+s12+$0x0], $0xffff  }
0x5b: {  	v4 =	vld.idx.msk [tilespmem:v4+s12+$0x0], $0xffff  }
0x5c: {  	v5 =	vld.idx.msk [tilespmem:v5+s12+$0x0], $0xffff  }
0x5d: {  	v6 =	vld.idx.msk [tilespmem:v6+s12+$0x0], $0xffff;
	_ =	sdelay $0x1  }
0x5e: {  	v7 =	vmov s31  }
0x5f: {  	v7 =	vshll.u32 v7, $0x3  }
0x60: {  	v1 =	vsub.f32 v1, v2;
	v2 =	vsub.f32 v3, v5;
	v3 =	vor.u32 v0, v7  }
0x61: {  	v4 =	vsub.f32 v4, v6;
	v60 =	vor.u32 $0x1, v3  }
0x62: {  	v61 =	vmul.f32 v1, v1;
	v8 =	vor.u32 $0x2, v3;
	v62 =	vmul.f32 v2, v2  }
0x63: {  	p0 =	sne.s32 s31, $0xB0;
	v9 =	vor.u32 $0x3, v3  }
.Ltmp1:
0x64: {  	v63 =	vmul.f32 v4, v4;
	v6 =	vadd.f32 v62, v61;
	(pc) =	sbr.rel @p0 .LBB2_5-.Ltmp1, $4  }
0x65: {  	[tilespmem:v3+s25+$0x0] =	vst.idx.msk $0xffff, v1  }
0x66: {  	v1 =	vadd.f32 v63, v6;
	[tilespmem:v60+s25+$0x0] =	vst.idx.msk $0xffff, v2  }
0x67: {  	[tilespmem:v8+s25+$0x0] =	vst.idx.msk $0xffff, v4  }
0x68: {  	s0 =	sadd.s32 $0x10, s0;
	s30 =	sadd.s32 $0x10, s30;
	s31 =	sadd.s32 $0x10, s31;
	[tilespmem:v9+s25+$0x0] =	vst.idx.msk $0xffff, v1  }
0x69: {  	s0 =	simm.s32 $0x100;
	s30 =	simm.s32 $0x300;
	s31 =	simm.s32 $0x100  }
.LBB2_7:
0x6a: {  	v1 =	vld [tilespmem:s0+$0x0]  }
0x6b: {  	v2 =	vld [tilespmem:s30+$0x0];
	_ =	sdelay $0x3  }
0x6c: {  	v1 =	vshll.u32 v1, $0x2  }
0x6d: {  	v2 =	vshll.u32 v2, $0x2  }
0x6e: {  	v3 =	vor.u32 $0x1, v1  }
0x6f: {  	v4 =	vor.u32 $0x2, v1  }
0x70: {  	v5 =	vor.u32 $0x1, v2  }
0x71: {  	v6 =	vor.u32 $0x2, v2;
	v1 =	vld.idx.msk [tilespmem:v1+s12+$0x0], $0xffff  }
0x72: {  	v2 =	vld.idx.msk [tilespmem:v2+s12+$0x0], $0xffff  }
0x73: {  	v3 =	vld.idx.msk [tilespmem:v3+s12+$0x0], $0xffff  }
0x74: {  	v4 =	vld.idx.msk [tilespmem:v4+s12+$0x0], $0xffff  }
0x75: {  	v5 =	vld.idx.msk [tilespmem:v5+s12+$0x0], $0xffff  }
0x76: {  	v6 =	vld.idx.msk [tilespmem:v6+s12+$0x0], $0xffff;
	_ =	sdelay $0x1  }
0x77: {  	v7 =	vmov s31  }
0x78: {  	v7 =	vshll.u32 v7, $0x3  }
0x79: {  	v1 =	vsub.f32 v1, v2;
	v2 =	vsub.f32 v3, v5;
	v3 =	vor.u32 v0, v7  }
0x7a: {  	v4 =	vsub.f32 v4, v6;
	v60 =	vor.u32 $0x1, v3  }
0x7b: {  	v61 =	vmul.f32 v1, v1;
	v8 =	vor.u32 $0x2, v3;
	v62 =	vmul.f32 v2, v2  }
0x7c: {  	p0 =	sne.s32 s31, $0x130;
	v9 =	vor.u32 $0x3, v3  }
.Ltmp2:
0x7d: {  	v63 =	vmul.f32 v4, v4;
	v6 =	vadd.f32 v62, v61;
	(pc) =	sbr.rel @p0 .LBB2_7-.Ltmp2, $4  }
0x7e: {  	[tilespmem:v3+s25+$0x0] =	vst.idx.msk $0xffff, v1  }
0x7f: {  	v1 =	vadd.f32 v63, v6;
	[tilespmem:v60+s25+$0x0] =	vst.idx.msk $0xffff, v2  }
0x80: {  	[tilespmem:v8+s25+$0x0] =	vst.idx.msk $0xffff, v4  }
0x81: {  	s0 =	sadd.s32 $0x10, s0;
	s30 =	sadd.s32 $0x10, s30;
	s31 =	sadd.s32 $0x10, s31;
	[tilespmem:v9+s25+$0x0] =	vst.idx.msk $0xffff, v1  }
0x82: {  	s30 =	simm.s32 $0x180  }
0x83: {  	s31 =	simm.s32 $0x380;
	v1 =	vld [tilespmem:s30+$0x0]  }
0x84: {  	v2 =	vld [tilespmem:s31+$0x0];
	_ =	sdelay $0x3  }
0x85: {  	v1 =	vshll.u32 v1, $0x2  }
0x86: {  	v2 =	vshll.u32 v2, $0x2  }
0x87: {  	v3 =	vor.u32 $0x1, v1  }
0x88: {  	v4 =	vor.u32 $0x1, v2  }
0x89: {  	v5 =	vor.u32 $0x2, v1  }
0x8a: {  	v6 =	vor.u32 $0x2, v2;
	v1 =	vld.idx.msk [tilespmem:v1+s12+$0x0], $0xffff  }
0x8b: {  	v2 =	vld.idx.msk [tilespmem:v2+s12+$0x0], $0xffff  }
0x8c: {  	v3 =	vld.idx.msk [tilespmem:v3+s12+$0x0], $0xffff  }
0x8d: {  	v4 =	vld.idx.msk [tilespmem:v4+s12+$0x0], $0xffff  }
0x8e: {  	v7 =	vmov s30;
	v5 =	vld.idx.msk [tilespmem:v5+s12+$0x0], $0xffff  }
0x8f: {  	v7 =	vshll.u32 v7, $0x3;
	v6 =	vld.idx.msk [tilespmem:v6+s12+$0x0], $0xffff  }
0x90: {  	v7 =	vor.u32 v0, v7;
	_ =	sdelay $0x1  }
0x91: {  	v8 =	vor.u32 $0x1, v7;
	v1 =	vsub.f32 v1, v2;
	v2 =	vsub.f32 v3, v4  }
0x92: {  	v3 =	vor.u32 $0x2, v7  }
0x93: {  	v60 =	vsub.f32 v5, v6;
	v61 =	vmul.f32 v1, v1;
	v62 =	vmul.f32 v2, v2  }
0x94: {  	[tilespmem:v7+s25+$0x0] =	vst.idx.msk $0xffff, v1;
	v1 =	vor.u32 $0x3, v7  }
0x95: {  	v63 =	vmul.f32 v60, v60;
	v5 =	vadd.f32 v62, v61  }
0x96: {  	[tilespmem:v8+s25+$0x0] =	vst.idx.msk $0xffff, v2  }
0x97: {  	s0 =	simm.s32 $0x190;
	[tilespmem:v3+s25+$0x0] =	vst.idx.msk $0xffff, v60;
	v2 =	vadd.f32 v63, v5  }
.LBB2_9:
0x98: {  	_ = 	snop  }
0x99: {  	p0 =	sne.s32 s0, $0x1B0;
	s30 =	sadd.s32 $0x10, s30;
	s31 =	sadd.s32 $0x10, s31;
	[tilespmem:v1+s25+$0x0] =	vst.idx.msk $0xffff, v2  }
0x9a: {  	s3 =	smov.u32 s0;
	s0 =	sadd.s32 $0x10, s0;
	v1 =	vld [tilespmem:s30+$0x0];
	_ =	sdelay $0x1  }
0x9b: {  	v2 =	vld [tilespmem:s31+$0x0];
	_ =	sdelay $0x2  }
0x9c: {  	v1 =	vshll.u32 v1, $0x2  }
0x9d: {  	v3 =	vor.u32 $0x1, v1;
	v4 =	vor.u32 $0x2, v1  }
0x9e: {  	v2 =	vshll.u32 v2, $0x2  }
0x9f: {  	v5 =	vor.u32 $0x1, v2;
	v6 =	vor.u32 $0x2, v2;
	_ =	sdelay $0x1  }
0xa0: {  	v1 =	vld.idx.msk [tilespmem:v1+s12+$0x0], $0xffff  }
0xa1: {  	v3 =	vld.idx.msk [tilespmem:v3+s12+$0x0], $0xffff  }
0xa2: {  	v2 =	vld.idx.msk [tilespmem:v2+s12+$0x0], $0xffff  }
0xa3: {  	v5 =	vld.idx.msk [tilespmem:v5+s12+$0x0], $0xffff  }
0xa4: {  	v4 =	vld.idx.msk [tilespmem:v4+s12+$0x0], $0xffff  }
0xa5: {  	v7 =	vmov s3;
	v6 =	vld.idx.msk [tilespmem:v6+s12+$0x0], $0xffff  }
0xa6: {  	v7 =	vshll.u32 v7, $0x3  }
0xa7: {  	v7 =	vor.u32 v0, v7  }
0xa8: {  	v8 =	vor.u32 $0x1, v7  }
0xa9: {  	v1 =	vsub.f32 v1, v2;
	v2 =	vsub.f32 v3, v5;
	v3 =	vor.u32 $0x2, v7;
	_ =	sdelay $0x1  }
.Ltmp3:
0xaa: {  	v5 =	vmul.f32 v1, v1;
	v4 =	vsub.f32 v4, v6;
	v6 =	vmul.f32 v2, v2;
	(pc) =	sbr.rel @p0 .LBB2_9-.Ltmp3, $4  }
0xab: {  	[tilespmem:v7+s25+$0x0] =	vst.idx.msk $0xffff, v1;
	v1 =	vor.u32 $0x3, v7  }
0xac: {  	v5 =	vadd.f32 v6, v5;
	v6 =	vmul.f32 v4, v4;
	[tilespmem:v8+s25+$0x0] =	vst.idx.msk $0xffff, v2  }
0xad: {  	[tilespmem:v3+s25+$0x0] =	vst.idx.msk $0xffff, v4  }
0xae: {  	v2 =	vadd.f32 v6, v5  }
0xaf: {  	_ =	sdelay $0x3  }
0xb0: {  	[tilespmem:v1+s25+$0x0] =	vst.idx.msk $0xffff, v2  }
0xb1: {  	_ =	swait.ge [sflag:s21], $0x2000  }
0xb2: {  	[sflag:s21] =	ssyncset.done $0x0  }
0xb3: {  	[sflag:s21] =	ssyncadd.s32 $0xFFFFE000  }
0xb4: {  	_ =	swait.ge [sflag:s21], $0x2000  }
0xb5: {  	[sflag:s21] =	ssyncset.done $0x0  }
0xb6: {  	[sflag:s21] =	ssyncadd.s32 $0xFFFFE000  }
0xb7: {  	_ =	swait.ge [sflag:s21], $0x2000  }
0xb8: {  	[sflag:s21] =	ssyncset.done $0x0  }
0xb9: {  	[sflag:s21] =	ssyncadd.s32 $0xFFFFE000  }
0xba: {  	_ =	swait.ge [sflag:s21], $0x2000  }
0xbb: {  	s0 =	sshll.u32 s29, $0x3;
	[sflag:s21] =	ssyncset.done $0x0  }
0xbc: {  	s0 =	sadd.s32 s8, s0;
	[sflag:s21] =	ssyncadd.s32 $0xFFFFE000  }
0xbd: {  	[hbm4b:s0+s2] =	stream.linear.scatter [tilespmem:s15], [sflag:$0x2], $0x8000, $0x38;
	[tilespmem:$0x13400] =	vst v63  }
0xbe: {  	s28 =	sadd.s32 $0x1, s28;
	_ =	swait.ge [sflag:s13], $0x8000  }
0xbf: {  	p0 =	sne.s32 s28, $0x14;
	[sflag:s13] =	ssyncset.done $0x0  }
.Ltmp4:
0xc0: {  	s31 =	sadd.s32 s9, s29;
	[sflag:s13] =	ssyncadd.s32 $0xFFFF8000;
	(pc) =	sbr.rel @p0 .LBB2_2-.Ltmp4, $4  }
0xc1: {  	[hbm4b:s31+s2] =	stream.linear.scatter [tilespmem:s25], [sflag:$0x2], $0x1000, $0x38;
	[tilespmem:$0x13400] =	vst v63  }
0xc2: {  	_ =	swait.ge [sflag:s13], $0x1000  }
0xc3: {  	[sflag:s13] =	ssyncset.done $0x0  }
0xc4: {  	[sflag:s13] =	ssyncadd.s32 $0xFFFFF000  }
0xc5: {  	s26 =	sadd.s32 $0x1, s26  }
0xc6: {  	p0 =	sne.s32 s26, s11  }
.Ltmp5:
0xc7: {  	_ = 	snop;
	(pc) =	sbr.rel @p0 .LBB2_1-.Ltmp5, $1  }
0xc8: {  	_ =	sdelay $0x3  }
0xc9: {  	_ =	sfence.sel $0x180000  }
0xca: {  	[bflag:$0x0] =	sbarrier.arrive $0xFFFF  }
0xcb: {  	_ =	strace $0x90000047  }
0xcc: {  	s0 =	stileid.u32;
	[bflag:$0x2] =	sbarrier.arrive $0xFFFF  }
0xcd: {  	p0 =	sne.s32 s0, $0x0;
	s0 =	rddreg [dreg:$0x2]  }
0xce: {  	s0 =	sadd.s32 @!p0 $0x100000, s0  }
0xcf: {  	[sflag:s0] =	ssyncadd.tile.s32 @!p0 $0x1;
	_ =	shalt  }
.Lfunc_end2:
_tile_overlayer_lowered:
.L_overlay_start_2:
0xd0: {  	(tag) =	ssettag $0x2  }
0xd1: {  	s0 =	rddreg [dreg:$0x0];
	s2 =	stileid.u32  }
0xd2: {  	s1 =	rddreg [dreg:$0x1];
	p0 =	sne.s32 s2, $0x0  }
0xd3: {  	s3 =	rddreg [dreg:$0x2];
	[bflag:$0x3] =	sbarrier.arrive $0xFFFF;
	s2 =	simm.s32 @!p0 $0x1C02  }
0xd4: {  	[timem:s3], [sflag:s2] =	dma.local @!p0 [hbm:s0], s1  }
0xd5: {  	s0 =	simm.s32 @!p0 $0x2  }
0xd6: {  	_ =	swait.ge @!p0 [sflag:s0], s1  }
0xd7: {  	s1 =	ssub.s32 @!p0 $0x0, s1;
	[sflag:s0] =	ssyncset.done @!p0 $0x0  }
0xd8: {  	[sflag:s0] =	ssyncadd.s32 @!p0 s1  }
0xd9: {  	[bflag:$0x3] =	sbarrier.arrive $0xFFFF  }
0xda: {  	_ =	shalt  }

</sc_bundles>
